<compile_context>
chip_gen: v7x
topology: tpu7x:2x2x1
jax: 0.10.2.dev20260603
libtpu: 0.0.44.dev20260713+nightly
codegen_flags: <defaults>
</compile_context>

<pallas_src>
import functools
import math

import jax
import jax.numpy as jnp
from jax import lax
from jax.experimental import pallas as pl
from jax.experimental.pallas import tpu as pltpu
from jax.experimental.pallas import tpu_sc as plsc

HIDDEN = 1024
_SCALE = math.sqrt(HIDDEN)
_NC, _NS = 2, 16
_NW = _NC * _NS
_B_TOT = 4 * 4096
_B_PER_W = _B_TOT // _NW
_CHUNK = 16
_NCHUNK = _B_PER_W // _CHUNK
_NBUF = 4
_NGRP = _NCHUNK // _NBUF
_LOOKAHEAD = 2


def _embed_call(idx2d, table):
  mesh = plsc.VectorSubcoreMesh(core_axis_name="c", subcore_axis_name="s")
  n_rows, row_len = idx2d.shape
  w_per_row = row_len // _B_PER_W

  @functools.partial(
      pl.kernel,
      out_type=jax.ShapeDtypeStruct((n_rows, row_len, HIDDEN), jnp.float32),
      mesh=mesh,
      scratch_types=[
          pltpu.VMEM((_B_PER_W,), jnp.int32),
          *[pltpu.VMEM((_CHUNK, HIDDEN), jnp.float32) for _ in range(_NBUF)],
          *[pltpu.SemaphoreType.DMA for _ in range(2 * _NBUF)],
      ],
  )
  def body(idx_hbm, table_hbm, out_hbm, idx_v, *rest):
    bufs = rest[:_NBUF]
    gsem = rest[_NBUF:2 * _NBUF]
    ssem = rest[2 * _NBUF:3 * _NBUF]

    wid = lax.axis_index("s") * _NC + lax.axis_index("c")
    row = wid // w_per_row
    col0 = (wid % w_per_row) * _B_PER_W
    head = 128
    pltpu.sync_copy(idx_hbm.at[row, pl.ds(col0, head)],
                    idx_v.at[pl.ds(0, head)])

    def gather_start(g, b):
      src = table_hbm.at[idx_v.at[pl.ds(g * _CHUNK, _CHUNK)]]
      pltpu.async_copy(src, bufs[b], gsem[b])

    def gather_wait(g, b):
      src = table_hbm.at[idx_v.at[pl.ds(g * _CHUNK, _CHUNK)]]
      pltpu.make_async_copy(src, bufs[b], gsem[b]).wait()

    def store_start(g, b):
      dst = out_hbm.at[row, pl.ds(col0 + g * _CHUNK, _CHUNK)]
      pltpu.async_copy(bufs[b], dst, ssem[b])

    def store_wait(g, b):
      dst = out_hbm.at[row, pl.ds(col0 + g * _CHUNK, _CHUNK)]
      pltpu.make_async_copy(bufs[b], dst, ssem[b]).wait()

    for b in range(_LOOKAHEAD):
      gather_start(b, b)

    pltpu.sync_copy(idx_hbm.at[row, pl.ds(col0 + head, _B_PER_W - head)],
                    idx_v.at[pl.ds(head, _B_PER_W - head)])

    def grp_body(grp, carry):
      for b in range(_NBUF):
        g = grp * _NBUF + b
        h = g + _LOOKAHEAD
        bh = (b + _LOOKAHEAD) % _NBUF

        @pl.when(jnp.logical_and(h < _NCHUNK, h >= _NBUF))
        def _():
          store_wait(h - _NBUF, bh)

        @pl.when(h < _NCHUNK)
        def _():
          gather_start(h, bh)

        gather_wait(g, b)

        buf = bufs[b]

        @plsc.parallel_loop(0, _CHUNK * (HIDDEN // 16), 1, unroll=4)
        def _(i):
          r = i >> 6
          sl = pl.ds((i & (HIDDEN // 16 - 1)) * 16, 16)
          buf[r, sl] = buf[r, sl] * _SCALE

        store_start(g, b)
      return carry

    lax.fori_loop(0, _NGRP, grp_body, 0)

    for b in range(_NBUF):
      store_wait(_NCHUNK - _NBUF + b, b)

  return body(idx2d, table)


def kernel(inputs, embed_tokens_weight):
  return _embed_call(inputs.astype(jnp.int32), embed_tokens_weight)

# --- scband reference (transcript-rebuilt; emitter-appended) ---
"""Pipeline reference for scband-input-embedder-48739288875391 (READ-ONLY COPY).

The authoritative reference and input builder live on the scoring server;
editing this copy changes nothing except your own understanding.
"""

import math
import jax, jax.numpy as jnp
import numpy as np

VOCAB_SIZE = 100000
HIDDEN_SIZE = 1024
EMBED_SCALE = math.sqrt(HIDDEN_SIZE)


def setup_inputs(seed: int = 0) -> dict:
    key = jax.random.key(seed)
    k_idx, k_tab = jax.random.split(key)
    inputs = jax.random.randint(k_idx, (4, 4096), 0, VOCAB_SIZE, dtype=jnp.int64 if jax.config.jax_enable_x64 else jnp.int32)
    std = 1.0 / EMBED_SCALE
    tab = jax.random.truncated_normal(k_tab, -2.0, 2.0, (VOCAB_SIZE, HIDDEN_SIZE), dtype=jnp.float32) * std
    return {"inputs": inputs, "embed_tokens_weight": tab}


def reference(inputs, embed_tokens_weight):
    # (B, seq_len) -> (B, seq_len, hidden_size); embedding gather then scale
    emb = jnp.take(embed_tokens_weight, inputs, axis=0)
    return emb * EMBED_SCALE

if __name__ == "__main__":
    import jax
    _d = setup_inputs()
    print(jax.jit(kernel)(*tuple(_d.values())))

</pallas_src>

<mosaic_0001>
#map = affine_map<(d0, d1) -> (0, 0)>
#map1 = affine_map<(d0, d1) -> (0, 0, 0)>
module attributes {stable_mosaic.version = 14 : i64} {
  func.func @body(%arg0: i32, %arg1: i32, %arg2: memref<4x4096xi32, #tpu.memory_space<hbm>>, %arg3: memref<100000x1024xf32, #tpu.memory_space<hbm>>, %arg4: memref<4x4096x1024xf32, #tpu.memory_space<hbm>>, %arg5: memref<512xi32, #tpu.memory_space<vmem>>, %arg6: memref<16x1024xf32, #tpu.memory_space<vmem>>, %arg7: memref<16x1024xf32, #tpu.memory_space<vmem>>, %arg8: memref<16x1024xf32, #tpu.memory_space<vmem>>, %arg9: memref<16x1024xf32, #tpu.memory_space<vmem>>, %arg10: memref<!tpu.dma_semaphore, #tpu.memory_space<semaphore_mem>>, %arg11: memref<!tpu.dma_semaphore, #tpu.memory_space<semaphore_mem>>, %arg12: memref<!tpu.dma_semaphore, #tpu.memory_space<semaphore_mem>>, %arg13: memref<!tpu.dma_semaphore, #tpu.memory_space<semaphore_mem>>, %arg14: memref<!tpu.dma_semaphore, #tpu.memory_space<semaphore_mem>>, %arg15: memref<!tpu.dma_semaphore, #tpu.memory_space<semaphore_mem>>, %arg16: memref<!tpu.dma_semaphore, #tpu.memory_space<semaphore_mem>>, %arg17: memref<!tpu.dma_semaphore, #tpu.memory_space<semaphore_mem>>) attributes {dimension_semantics = [#tpu.dimension_semantics<core_parallel>, #tpu.dimension_semantics<subcore_parallel>], iteration_bounds = array<i64: 2, 16>, scalar_prefetch = 0 : i64, scratch_operands = 13 : i64, tpu.core_type = #tpu.core_type<sc_vector_subcore>, window_params = [{transform_indices = #map}, {transform_indices = #map}, {transform_indices = #map1}]} {
    %mul3A = arith.constant 2 : i32
    %mul3A_0 = arith.muli %arg1, %mul3A : i32
    %add3A = arith.addi %mul3A_0, %arg0 : i32
    %jit3A = arith.constant 8 : i32
    %div3A = arith.divsi %add3A, %jit3A : i32
    %sign3A = arith.constant 0 : i32
    %sign3A_1 = arith.cmpi sgt, %add3A, %sign3A : i32
    %sign3A_2 = arith.extui %sign3A_1 : i1 to i32
    %sign3A_3 = arith.constant 0 : i32
    %sign3A_4 = arith.cmpi slt, %add3A, %sign3A_3 : i32
    %sign3A_5 = arith.extui %sign3A_4 : i1 to i32
    %sign3A_6 = arith.subi %sign3A_2, %sign3A_5 : i32
    %sign3A_7 = arith.constant 0 : i32
    %sign3A_8 = arith.cmpi sgt, %jit3A, %sign3A_7 : i32
    %sign3A_9 = arith.extui %sign3A_8 : i1 to i32
    %sign3A_10 = arith.constant 0 : i32
    %sign3A_11 = arith.cmpi slt, %jit3A, %sign3A_10 : i32
    %sign3A_12 = arith.extui %sign3A_11 : i1 to i32
    %sign3A_13 = arith.subi %sign3A_9, %sign3A_12 : i32
    %ne3A = arith.cmpi ne, %sign3A_6, %sign3A_13 : i32
    %rem3A = arith.remsi %add3A, %jit3A : i32
    %ne3A_14 = arith.constant 0 : i32
    %ne3A_15 = arith.cmpi ne, %rem3A, %ne3A_14 : i32
    %and3A = arith.andi %ne3A, %ne3A_15 : i1
    %sub3A = arith.constant 1 : i32
    %sub3A_16 = arith.subi %div3A, %sub3A : i32
    %select_n3A = arith.select %and3A, %sub3A_16, %div3A : i32
    %jit3A_17 = arith.constant 8 : i32
    %eq3A = arith.constant 0 : i32
    %eq3A_18 = arith.cmpi eq, %jit3A_17, %eq3A : i32
    %jit3A_19 = arith.constant 1 : i32
    %select_n3A_20 = arith.select %eq3A_18, %jit3A_19, %jit3A_17 : i32
    %rem3A_21 = arith.remsi %add3A, %select_n3A_20 : i32
    %ne3A_22 = arith.constant 0 : i32
    %ne3A_23 = arith.cmpi ne, %rem3A_21, %ne3A_22 : i32
    %lt3A = arith.constant 0 : i32
    %lt3A_24 = arith.cmpi slt, %rem3A_21, %lt3A : i32
    %lt3A_25 = arith.constant 0 : i32
    %lt3A_26 = arith.cmpi slt, %select_n3A_20, %lt3A_25 : i32
    %ne3A_27 = arith.xori %lt3A_24, %lt3A_26 : i1
    %and3A_28 = arith.andi %ne3A_27, %ne3A_23 : i1
    %add3A_29 = arith.addi %rem3A_21, %select_n3A_20 : i32
    %select_n3A_30 = arith.select %and3A_28, %add3A_29, %rem3A_21 : i32
    %mul3A_31 = arith.constant 512 : i32
    %mul3A_32 = arith.muli %select_n3A_30, %mul3A_31 : i32
    "tpu.region"() ({
      %run_scoped3A = tpu.sem_alloc : memref<!tpu.dma_semaphore, #tpu.memory_space<semaphore_mem>>
      %dma_start3A_80 = arith.constant 0 : i32
      %dma_start3A_81 = tpu.memref_slice %arg5[%dma_start3A_80] : memref<512xi32, #tpu.memory_space<vmem>> -> memref<128xi32, #tpu.memory_space<vmem>>
      %dma_start3A_82 = tpu.memref_slice %arg2[%select_n3A, %mul3A_32] : memref<4x4096xi32, #tpu.memory_space<hbm>> -> memref<1x128xi32, #tpu.memory_space<hbm>>
      %dma_start3A_83 = tpu.memref_squeeze %dma_start3A_82 : memref<1x128xi32, #tpu.memory_space<hbm>> -> memref<128xi32, #tpu.memory_space<hbm>>
      %dma_start3A_84 = arith.constant 0 : i32
      %dma_start3A_85 = tpu.memref_slice %arg5[%dma_start3A_84] : memref<512xi32, #tpu.memory_space<vmem>> -> memref<128xi32, #tpu.memory_space<vmem>>
      %dma_start3A_86 = tpu.memref_slice %arg2[%select_n3A, %mul3A_32] : memref<4x4096xi32, #tpu.memory_space<hbm>> -> memref<1x128xi32, #tpu.memory_space<hbm>>
      %dma_start3A_87 = tpu.memref_squeeze %dma_start3A_86 : memref<1x128xi32, #tpu.memory_space<hbm>> -> memref<128xi32, #tpu.memory_space<hbm>>
      tpu.enqueue_dma source(%dma_start3A_87 : memref<128xi32, #tpu.memory_space<hbm>>) target(%dma_start3A_85 : memref<128xi32, #tpu.memory_space<vmem>>) target_semaphore(%run_scoped3A : memref<!tpu.dma_semaphore, #tpu.memory_space<semaphore_mem>>)
      %dma_wait3A_88 = arith.constant 0 : i32
      %dma_wait3A_89 = tpu.memref_slice %arg5[%dma_wait3A_88] : memref<512xi32, #tpu.memory_space<vmem>> -> memref<128xi32, #tpu.memory_space<vmem>>
      %dma_wait3A_90 = tpu.memref_slice %arg2[%select_n3A, %mul3A_32] : memref<4x4096xi32, #tpu.memory_space<hbm>> -> memref<1x128xi32, #tpu.memory_space<hbm>>
      %dma_wait3A_91 = tpu.memref_squeeze %dma_wait3A_90 : memref<1x128xi32, #tpu.memory_space<hbm>> -> memref<128xi32, #tpu.memory_space<hbm>>
      %dma_wait3A_92 = arith.constant 0 : i32
      %dma_wait3A_93 = tpu.memref_slice %arg5[%dma_wait3A_92] : memref<512xi32, #tpu.memory_space<vmem>> -> memref<128xi32, #tpu.memory_space<vmem>>
      %dma_wait3A_94 = tpu.memref_slice %arg2[%select_n3A, %mul3A_32] : memref<4x4096xi32, #tpu.memory_space<hbm>> -> memref<1x128xi32, #tpu.memory_space<hbm>>
      %dma_wait3A_95 = tpu.memref_squeeze %dma_wait3A_94 : memref<1x128xi32, #tpu.memory_space<hbm>> -> memref<128xi32, #tpu.memory_space<hbm>>
      tpu.wait_dma2 semaphore(%run_scoped3A : memref<!tpu.dma_semaphore, #tpu.memory_space<semaphore_mem>>) src(%dma_wait3A_95 : memref<128xi32, #tpu.memory_space<hbm>>) dst(%dma_wait3A_93 : memref<128xi32, #tpu.memory_space<vmem>>)
      tpu.yield
    }) : () -> ()
    %dma_start3A = arith.constant 0 : i32
    %dma_start3A_33 = tpu.memref_slice %arg5[%dma_start3A] : memref<512xi32, #tpu.memory_space<vmem>> -> memref<16xi32, #tpu.memory_space<vmem>>
    %dma_start3A_34 = arith.constant 0 : i32
    %dma_start3A_35 = arith.constant 0 : i32
    %dma_start3A_36 = tpu.memref_slice %arg3[%dma_start3A_34, %dma_start3A_35] : memref<100000x1024xf32, #tpu.memory_space<hbm>> -> memref<100000x1024xf32, #tpu.memory_space<hbm>>
    tpu.enqueue_indirect_dma source(%dma_start3A_36 : memref<100000x1024xf32, #tpu.memory_space<hbm>>) target(%arg6 : memref<16x1024xf32, #tpu.memory_space<vmem>>) offsets(%dma_start3A_33 : memref<16xi32, #tpu.memory_space<vmem>>) semaphore(%arg10 : memref<!tpu.dma_semaphore, #tpu.memory_space<semaphore_mem>>)
    %dma_start3A_37 = arith.constant 16 : i32
    %dma_start3A_38 = tpu.memref_slice %arg5[%dma_start3A_37] : memref<512xi32, #tpu.memory_space<vmem>> -> memref<16xi32, #tpu.memory_space<vmem>>
    %dma_start3A_39 = arith.constant 0 : i32
    %dma_start3A_40 = arith.constant 0 : i32
    %dma_start3A_41 = tpu.memref_slice %arg3[%dma_start3A_39, %dma_start3A_40] : memref<100000x1024xf32, #tpu.memory_space<hbm>> -> memref<100000x1024xf32, #tpu.memory_space<hbm>>
    tpu.enqueue_indirect_dma source(%dma_start3A_41 : memref<100000x1024xf32, #tpu.memory_space<hbm>>) target(%arg7 : memref<16x1024xf32, #tpu.memory_space<vmem>>) offsets(%dma_start3A_38 : memref<16xi32, #tpu.memory_space<vmem>>) semaphore(%arg11 : memref<!tpu.dma_semaphore, #tpu.memory_space<semaphore_mem>>)
    %add3A_42 = arith.constant 128 : i32
    %add3A_43 = arith.addi %mul3A_32, %add3A_42 : i32
    "tpu.region"() ({
      %run_scoped3A = tpu.sem_alloc : memref<!tpu.dma_semaphore, #tpu.memory_space<semaphore_mem>>
      %dma_start3A_80 = arith.constant 128 : i32
      %dma_start3A_81 = tpu.memref_slice %arg5[%dma_start3A_80] : memref<512xi32, #tpu.memory_space<vmem>> -> memref<384xi32, #tpu.memory_space<vmem>>
      %dma_start3A_82 = tpu.memref_slice %arg2[%select_n3A, %add3A_43] : memref<4x4096xi32, #tpu.memory_space<hbm>> -> memref<1x384xi32, #tpu.memory_space<hbm>>
      %dma_start3A_83 = tpu.memref_squeeze %dma_start3A_82 : memref<1x384xi32, #tpu.memory_space<hbm>> -> memref<384xi32, #tpu.memory_space<hbm>>
      %dma_start3A_84 = arith.constant 128 : i32
      %dma_start3A_85 = tpu.memref_slice %arg5[%dma_start3A_84] : memref<512xi32, #tpu.memory_space<vmem>> -> memref<384xi32, #tpu.memory_space<vmem>>
      %dma_start3A_86 = tpu.memref_slice %arg2[%select_n3A, %add3A_43] : memref<4x4096xi32, #tpu.memory_space<hbm>> -> memref<1x384xi32, #tpu.memory_space<hbm>>
      %dma_start3A_87 = tpu.memref_squeeze %dma_start3A_86 : memref<1x384xi32, #tpu.memory_space<hbm>> -> memref<384xi32, #tpu.memory_space<hbm>>
      tpu.enqueue_dma source(%dma_start3A_87 : memref<384xi32, #tpu.memory_space<hbm>>) target(%dma_start3A_85 : memref<384xi32, #tpu.memory_space<vmem>>) target_semaphore(%run_scoped3A : memref<!tpu.dma_semaphore, #tpu.memory_space<semaphore_mem>>)
      %dma_wait3A_88 = arith.constant 128 : i32
      %dma_wait3A_89 = tpu.memref_slice %arg5[%dma_wait3A_88] : memref<512xi32, #tpu.memory_space<vmem>> -> memref<384xi32, #tpu.memory_space<vmem>>
      %dma_wait3A_90 = tpu.memref_slice %arg2[%select_n3A, %add3A_43] : memref<4x4096xi32, #tpu.memory_space<hbm>> -> memref<1x384xi32, #tpu.memory_space<hbm>>
      %dma_wait3A_91 = tpu.memref_squeeze %dma_wait3A_90 : memref<1x384xi32, #tpu.memory_space<hbm>> -> memref<384xi32, #tpu.memory_space<hbm>>
      %dma_wait3A_92 = arith.constant 128 : i32
      %dma_wait3A_93 = tpu.memref_slice %arg5[%dma_wait3A_92] : memref<512xi32, #tpu.memory_space<vmem>> -> memref<384xi32, #tpu.memory_space<vmem>>
      %dma_wait3A_94 = tpu.memref_slice %arg2[%select_n3A, %add3A_43] : memref<4x4096xi32, #tpu.memory_space<hbm>> -> memref<1x384xi32, #tpu.memory_space<hbm>>
      %dma_wait3A_95 = tpu.memref_squeeze %dma_wait3A_94 : memref<1x384xi32, #tpu.memory_space<hbm>> -> memref<384xi32, #tpu.memory_space<hbm>>
      tpu.wait_dma2 semaphore(%run_scoped3A : memref<!tpu.dma_semaphore, #tpu.memory_space<semaphore_mem>>) src(%dma_wait3A_95 : memref<384xi32, #tpu.memory_space<hbm>>) dst(%dma_wait3A_93 : memref<384xi32, #tpu.memory_space<vmem>>)
      tpu.yield
    }) : () -> ()
    %scan3A = arith.constant 0 : i32
    %scan3A_44 = arith.constant 0 : i32
    %scan3A_45 = arith.constant 8 : i32
    %scan3A_46 = arith.addi %scan3A_44, %scan3A_45 : i32
    %scan3A_47 = arith.constant 1 : i32
    scf.for %scan3A_80 = %scan3A_44 to %scan3A_46 step %scan3A_47  : i32 {
      %mul3A_81 = arith.constant 4 : i32
      %mul3A_82 = arith.muli %scan3A_80, %mul3A_81 : i32
      %add3A_83 = arith.constant 0 : i32
      %add3A_84 = arith.addi %mul3A_82, %add3A_83 : i32
      %add3A_85 = arith.constant 2 : i32
      %add3A_86 = arith.addi %add3A_84, %add3A_85 : i32
      %lt3A_87 = arith.constant 32 : i32
      %lt3A_88 = arith.cmpi slt, %add3A_86, %lt3A_87 : i32
      %ge3A = arith.constant 4 : i32
      %ge3A_89 = arith.cmpi sge, %add3A_86, %ge3A : i32
      %and3A_90 = arith.andi %lt3A_88, %ge3A_89 : i1
      %convert_element_type3A = arith.extui %and3A_90 : i1 to i32
      %cond3A = arith.constant 0 : i32
      %cond3A_91 = arith.cmpi ne, %convert_element_type3A, %cond3A : i32
      scf.if %cond3A_91 {
        %sub3A_225 = arith.constant 4 : i32
        %sub3A_226 = arith.subi %add3A_86, %sub3A_225 : i32
        %mul3A_227 = arith.constant 16 : i32
        %mul3A_228 = arith.muli %sub3A_226, %mul3A_227 : i32
        %add3A_229 = arith.addi %mul3A_32, %mul3A_228 : i32
        %dma_wait3A_230 = arith.constant 0 : i32
        %dma_wait3A_231 = tpu.memref_slice %arg4[%select_n3A, %add3A_229, %dma_wait3A_230] : memref<4x4096x1024xf32, #tpu.memory_space<hbm>> -> memref<1x16x1024xf32, #tpu.memory_space<hbm>>
        %dma_wait3A_232 = tpu.memref_squeeze %dma_wait3A_231 : memref<1x16x1024xf32, #tpu.memory_space<hbm>> -> memref<16x1024xf32, #tpu.memory_space<hbm>>
        %dma_wait3A_233 = arith.constant 0 : i32
        %dma_wait3A_234 = tpu.memref_slice %arg4[%select_n3A, %add3A_229, %dma_wait3A_233] : memref<4x4096x1024xf32, #tpu.memory_space<hbm>> -> memref<1x16x1024xf32, #tpu.memory_space<hbm>>
        %dma_wait3A_235 = tpu.memref_squeeze %dma_wait3A_234 : memref<1x16x1024xf32, #tpu.memory_space<hbm>> -> memref<16x1024xf32, #tpu.memory_space<hbm>>
        tpu.wait_dma2 semaphore(%arg16 : memref<!tpu.dma_semaphore, #tpu.memory_space<semaphore_mem>>) src(%arg8 : memref<16x1024xf32, #tpu.memory_space<vmem>>) dst(%dma_wait3A_235 : memref<16x1024xf32, #tpu.memory_space<hbm>>)
      } else {
      }
      %lt3A_92 = arith.constant 32 : i32
      %lt3A_93 = arith.cmpi slt, %add3A_86, %lt3A_92 : i32
      %convert_element_type3A_94 = arith.extui %lt3A_93 : i1 to i32
      %cond3A_95 = arith.constant 0 : i32
      %cond3A_96 = arith.cmpi ne, %convert_element_type3A_94, %cond3A_95 : i32
      scf.if %cond3A_96 {
        %mul3A_225 = arith.constant 16 : i32
        %mul3A_226 = arith.muli %add3A_86, %mul3A_225 : i32
        %dma_start3A_227 = tpu.memref_slice %arg5[%mul3A_226] : memref<512xi32, #tpu.memory_space<vmem>> -> memref<16xi32, #tpu.memory_space<vmem>>
        %dma_start3A_228 = arith.constant 0 : i32
        %dma_start3A_229 = arith.constant 0 : i32
        %dma_start3A_230 = tpu.memref_slice %arg3[%dma_start3A_228, %dma_start3A_229] : memref<100000x1024xf32, #tpu.memory_space<hbm>> -> memref<100000x1024xf32, #tpu.memory_space<hbm>>
        tpu.enqueue_indirect_dma source(%dma_start3A_230 : memref<100000x1024xf32, #tpu.memory_space<hbm>>) target(%arg8 : memref<16x1024xf32, #tpu.memory_space<vmem>>) offsets(%dma_start3A_227 : memref<16xi32, #tpu.memory_space<vmem>>) semaphore(%arg12 : memref<!tpu.dma_semaphore, #tpu.memory_space<semaphore_mem>>)
      } else {
      }
      %mul3A_97 = arith.constant 16 : i32
      %mul3A_98 = arith.muli %add3A_84, %mul3A_97 : i32
      %dma_wait3A_99 = tpu.memref_slice %arg5[%mul3A_98] : memref<512xi32, #tpu.memory_space<vmem>> -> memref<16xi32, #tpu.memory_space<vmem>>
      %dma_wait3A_100 = arith.constant 0 : i32
      %dma_wait3A_101 = arith.constant 0 : i32
      %dma_wait3A_102 = tpu.memref_slice %arg3[%dma_wait3A_100, %dma_wait3A_101] : memref<100000x1024xf32, #tpu.memory_space<hbm>> -> memref<100000x1024xf32, #tpu.memory_space<hbm>>
      tpu.wait_indirect_dma semaphore(%arg10 : memref<!tpu.dma_semaphore, #tpu.memory_space<semaphore_mem>>) src(%dma_wait3A_102 : memref<100000x1024xf32, #tpu.memory_space<hbm>>) dst(%arg6 : memref<16x1024xf32, #tpu.memory_space<vmem>>)
      %parallel_loop3A = arith.constant 0 : i32
      %parallel_loop3A_103 = arith.constant 1024 : i32
      %parallel_loop3A_104 = arith.constant 1 : i32
      scf.for %parallel_loop3A_225 = %parallel_loop3A to %parallel_loop3A_103 step %parallel_loop3A_104  : i32 {
        %parallel_loop3A_226 = arith.constant 6 : i32
        %parallel_loop3A_227 = arith.shrsi %parallel_loop3A_225, %parallel_loop3A_226 : i32
        %parallel_loop3A_228 = arith.constant 63 : i32
        %parallel_loop3A_229 = arith.andi %parallel_loop3A_225, %parallel_loop3A_228 : i32
        %parallel_loop3A_230 = arith.constant 16 : i32
        %parallel_loop3A_231 = arith.muli %parallel_loop3A_229, %parallel_loop3A_230 : i32
        %parallel_loop3A_232 = arith.index_cast %parallel_loop3A_227 : i32 to index
        %parallel_loop3A_233 = arith.index_cast %parallel_loop3A_231 : i32 to index
        %parallel_loop3A_234 = tpu.vector_load %arg6[%parallel_loop3A_232, %parallel_loop3A_233] {strides = array<i32>} : memref<16x1024xf32, #tpu.memory_space<vmem>>, vector<1x16xf32>,
        %parallel_loop3A_235 = vector.shape_cast %parallel_loop3A_234 : vector<1x16xf32> to vector<16xf32>
        %parallel_loop3A_236 = arith.constant 3.200000e+01 : f32
        %parallel_loop3A_237 = vector.broadcast %parallel_loop3A_236 : f32 to vector<16xf32>
        %parallel_loop3A_238 = arith.mulf %parallel_loop3A_235, %parallel_loop3A_237 : vector<16xf32>
        %parallel_loop3A_239 = arith.index_cast %parallel_loop3A_227 : i32 to index
        %parallel_loop3A_240 = arith.index_cast %parallel_loop3A_231 : i32 to index
        %parallel_loop3A_241 = tpu.vector_load %arg6[%parallel_loop3A_239, %parallel_loop3A_240] {strides = array<i32>} : memref<16x1024xf32, #tpu.memory_space<vmem>>, vector<1x16xf32>,
        %parallel_loop3A_242 = vector.shape_cast %parallel_loop3A_241 : vector<1x16xf32> to vector<16xf32>
        %parallel_loop3A_243 = vector.shape_cast %parallel_loop3A_238 : vector<16xf32> to vector<1x16xf32>
        tpu.vector_store %arg6[%parallel_loop3A_239, %parallel_loop3A_240], %parallel_loop3A_243 {strides = array<i32>} : memref<16x1024xf32, #tpu.memory_space<vmem>>, vector<1x16xf32>,
      } {sc.loop_unroll_factor = 4 : i64, sc.parallel_access}
      %mul3A_105 = arith.constant 16 : i32
      %mul3A_106 = arith.muli %add3A_84, %mul3A_105 : i32
      %add3A_107 = arith.addi %mul3A_32, %mul3A_106 : i32
      %dma_start3A_108 = arith.constant 0 : i32
      %dma_start3A_109 = tpu.memref_slice %arg4[%select_n3A, %add3A_107, %dma_start3A_108] : memref<4x4096x1024xf32, #tpu.memory_space<hbm>> -> memref<1x16x1024xf32, #tpu.memory_space<hbm>>
      %dma_start3A_110 = tpu.memref_squeeze %dma_start3A_109 : memref<1x16x1024xf32, #tpu.memory_space<hbm>> -> memref<16x1024xf32, #tpu.memory_space<hbm>>
      %dma_start3A_111 = arith.constant 0 : i32
      %dma_start3A_112 = tpu.memref_slice %arg4[%select_n3A, %add3A_107, %dma_start3A_111] : memref<4x4096x1024xf32, #tpu.memory_space<hbm>> -> memref<1x16x1024xf32, #tpu.memory_space<hbm>>
      %dma_start3A_113 = tpu.memref_squeeze %dma_start3A_112 : memref<1x16x1024xf32, #tpu.memory_space<hbm>> -> memref<16x1024xf32, #tpu.memory_space<hbm>>
      tpu.enqueue_dma source(%arg6 : memref<16x1024xf32, #tpu.memory_space<vmem>>) target(%dma_start3A_113 : memref<16x1024xf32, #tpu.memory_space<hbm>>) target_semaphore(%arg14 : memref<!tpu.dma_semaphore, #tpu.memory_space<semaphore_mem>>)
      %mul3A_114 = arith.constant 4 : i32
      %mul3A_115 = arith.muli %scan3A_80, %mul3A_114 : i32
      %add3A_116 = arith.constant 1 : i32
      %add3A_117 = arith.addi %mul3A_115, %add3A_116 : i32
      %add3A_118 = arith.constant 2 : i32
      %add3A_119 = arith.addi %add3A_117, %add3A_118 : i32
      %lt3A_120 = arith.constant 32 : i32
      %lt3A_121 = arith.cmpi slt, %add3A_119, %lt3A_120 : i32
      %ge3A_122 = arith.constant 4 : i32
      %ge3A_123 = arith.cmpi sge, %add3A_119, %ge3A_122 : i32
      %and3A_124 = arith.andi %lt3A_121, %ge3A_123 : i1
      %convert_element_type3A_125 = arith.extui %and3A_124 : i1 to i32
      %cond3A_126 = arith.constant 0 : i32
      %cond3A_127 = arith.cmpi ne, %convert_element_type3A_125, %cond3A_126 : i32
      scf.if %cond3A_127 {
        %sub3A_225 = arith.constant 4 : i32
        %sub3A_226 = arith.subi %add3A_119, %sub3A_225 : i32
        %mul3A_227 = arith.constant 16 : i32
        %mul3A_228 = arith.muli %sub3A_226, %mul3A_227 : i32
        %add3A_229 = arith.addi %mul3A_32, %mul3A_228 : i32
        %dma_wait3A_230 = arith.constant 0 : i32
        %dma_wait3A_231 = tpu.memref_slice %arg4[%select_n3A, %add3A_229, %dma_wait3A_230] : memref<4x4096x1024xf32, #tpu.memory_space<hbm>> -> memref<1x16x1024xf32, #tpu.memory_space<hbm>>
        %dma_wait3A_232 = tpu.memref_squeeze %dma_wait3A_231 : memref<1x16x1024xf32, #tpu.memory_space<hbm>> -> memref<16x1024xf32, #tpu.memory_space<hbm>>
        %dma_wait3A_233 = arith.constant 0 : i32
        %dma_wait3A_234 = tpu.memref_slice %arg4[%select_n3A, %add3A_229, %dma_wait3A_233] : memref<4x4096x1024xf32, #tpu.memory_space<hbm>> -> memref<1x16x1024xf32, #tpu.memory_space<hbm>>
        %dma_wait3A_235 = tpu.memref_squeeze %dma_wait3A_234 : memref<1x16x1024xf32, #tpu.memory_space<hbm>> -> memref<16x1024xf32, #tpu.memory_space<hbm>>
        tpu.wait_dma2 semaphore(%arg17 : memref<!tpu.dma_semaphore, #tpu.memory_space<semaphore_mem>>) src(%arg9 : memref<16x1024xf32, #tpu.memory_space<vmem>>) dst(%dma_wait3A_235 : memref<16x1024xf32, #tpu.memory_space<hbm>>)
      } else {
      }
      %lt3A_128 = arith.constant 32 : i32
      %lt3A_129 = arith.cmpi slt, %add3A_119, %lt3A_128 : i32
      %convert_element_type3A_130 = arith.extui %lt3A_129 : i1 to i32
      %cond3A_131 = arith.constant 0 : i32
      %cond3A_132 = arith.cmpi ne, %convert_element_type3A_130, %cond3A_131 : i32
      scf.if %cond3A_132 {
        %mul3A_225 = arith.constant 16 : i32
        %mul3A_226 = arith.muli %add3A_119, %mul3A_225 : i32
        %dma_start3A_227 = tpu.memref_slice %arg5[%mul3A_226] : memref<512xi32, #tpu.memory_space<vmem>> -> memref<16xi32, #tpu.memory_space<vmem>>
        %dma_start3A_228 = arith.constant 0 : i32
        %dma_start3A_229 = arith.constant 0 : i32
        %dma_start3A_230 = tpu.memref_slice %arg3[%dma_start3A_228, %dma_start3A_229] : memref<100000x1024xf32, #tpu.memory_space<hbm>> -> memref<100000x1024xf32, #tpu.memory_space<hbm>>
        tpu.enqueue_indirect_dma source(%dma_start3A_230 : memref<100000x1024xf32, #tpu.memory_space<hbm>>) target(%arg9 : memref<16x1024xf32, #tpu.memory_space<vmem>>) offsets(%dma_start3A_227 : memref<16xi32, #tpu.memory_space<vmem>>) semaphore(%arg13 : memref<!tpu.dma_semaphore, #tpu.memory_space<semaphore_mem>>)
      } else {
      }
      %mul3A_133 = arith.constant 16 : i32
      %mul3A_134 = arith.muli %add3A_117, %mul3A_133 : i32
      %dma_wait3A_135 = tpu.memref_slice %arg5[%mul3A_134] : memref<512xi32, #tpu.memory_space<vmem>> -> memref<16xi32, #tpu.memory_space<vmem>>
      %dma_wait3A_136 = arith.constant 0 : i32
      %dma_wait3A_137 = arith.constant 0 : i32
      %dma_wait3A_138 = tpu.memref_slice %arg3[%dma_wait3A_136, %dma_wait3A_137] : memref<100000x1024xf32, #tpu.memory_space<hbm>> -> memref<100000x1024xf32, #tpu.memory_space<hbm>>
      tpu.wait_indirect_dma semaphore(%arg11 : memref<!tpu.dma_semaphore, #tpu.memory_space<semaphore_mem>>) src(%dma_wait3A_138 : memref<100000x1024xf32, #tpu.memory_space<hbm>>) dst(%arg7 : memref<16x1024xf32, #tpu.memory_space<vmem>>)
      %parallel_loop3A_139 = arith.constant 0 : i32
      %parallel_loop3A_140 = arith.constant 1024 : i32
      %parallel_loop3A_141 = arith.constant 1 : i32
      scf.for %parallel_loop3A_225 = %parallel_loop3A_139 to %parallel_loop3A_140 step %parallel_loop3A_141  : i32 {
        %parallel_loop3A_226 = arith.constant 6 : i32
        %parallel_loop3A_227 = arith.shrsi %parallel_loop3A_225, %parallel_loop3A_226 : i32
        %parallel_loop3A_228 = arith.constant 63 : i32
        %parallel_loop3A_229 = arith.andi %parallel_loop3A_225, %parallel_loop3A_228 : i32
        %parallel_loop3A_230 = arith.constant 16 : i32
        %parallel_loop3A_231 = arith.muli %parallel_loop3A_229, %parallel_loop3A_230 : i32
        %parallel_loop3A_232 = arith.index_cast %parallel_loop3A_227 : i32 to index
        %parallel_loop3A_233 = arith.index_cast %parallel_loop3A_231 : i32 to index
        %parallel_loop3A_234 = tpu.vector_load %arg7[%parallel_loop3A_232, %parallel_loop3A_233] {strides = array<i32>} : memref<16x1024xf32, #tpu.memory_space<vmem>>, vector<1x16xf32>,
        %parallel_loop3A_235 = vector.shape_cast %parallel_loop3A_234 : vector<1x16xf32> to vector<16xf32>
        %parallel_loop3A_236 = arith.constant 3.200000e+01 : f32
        %parallel_loop3A_237 = vector.broadcast %parallel_loop3A_236 : f32 to vector<16xf32>
        %parallel_loop3A_238 = arith.mulf %parallel_loop3A_235, %parallel_loop3A_237 : vector<16xf32>
        %parallel_loop3A_239 = arith.index_cast %parallel_loop3A_227 : i32 to index
        %parallel_loop3A_240 = arith.index_cast %parallel_loop3A_231 : i32 to index
        %parallel_loop3A_241 = tpu.vector_load %arg7[%parallel_loop3A_239, %parallel_loop3A_240] {strides = array<i32>} : memref<16x1024xf32, #tpu.memory_space<vmem>>, vector<1x16xf32>,
        %parallel_loop3A_242 = vector.shape_cast %parallel_loop3A_241 : vector<1x16xf32> to vector<16xf32>
        %parallel_loop3A_243 = vector.shape_cast %parallel_loop3A_238 : vector<16xf32> to vector<1x16xf32>
        tpu.vector_store %arg7[%parallel_loop3A_239, %parallel_loop3A_240], %parallel_loop3A_243 {strides = array<i32>} : memref<16x1024xf32, #tpu.memory_space<vmem>>, vector<1x16xf32>,
      } {sc.loop_unroll_factor = 4 : i64, sc.parallel_access}
      %mul3A_142 = arith.constant 16 : i32
      %mul3A_143 = arith.muli %add3A_117, %mul3A_142 : i32
      %add3A_144 = arith.addi %mul3A_32, %mul3A_143 : i32
      %dma_start3A_145 = arith.constant 0 : i32
      %dma_start3A_146 = tpu.memref_slice %arg4[%select_n3A, %add3A_144, %dma_start3A_145] : memref<4x4096x1024xf32, #tpu.memory_space<hbm>> -> memref<1x16x1024xf32, #tpu.memory_space<hbm>>
      %dma_start3A_147 = tpu.memref_squeeze %dma_start3A_146 : memref<1x16x1024xf32, #tpu.memory_space<hbm>> -> memref<16x1024xf32, #tpu.memory_space<hbm>>
      %dma_start3A_148 = arith.constant 0 : i32
      %dma_start3A_149 = tpu.memref_slice %arg4[%select_n3A, %add3A_144, %dma_start3A_148] : memref<4x4096x1024xf32, #tpu.memory_space<hbm>> -> memref<1x16x1024xf32, #tpu.memory_space<hbm>>
      %dma_start3A_150 = tpu.memref_squeeze %dma_start3A_149 : memref<1x16x1024xf32, #tpu.memory_space<hbm>> -> memref<16x1024xf32, #tpu.memory_space<hbm>>
      tpu.enqueue_dma source(%arg7 : memref<16x1024xf32, #tpu.memory_space<vmem>>) target(%dma_start3A_150 : memref<16x1024xf32, #tpu.memory_space<hbm>>) target_semaphore(%arg15 : memref<!tpu.dma_semaphore, #tpu.memory_space<semaphore_mem>>)
      %mul3A_151 = arith.constant 4 : i32
      %mul3A_152 = arith.muli %scan3A_80, %mul3A_151 : i32
      %add3A_153 = arith.constant 2 : i32
      %add3A_154 = arith.addi %mul3A_152, %add3A_153 : i32
      %add3A_155 = arith.constant 2 : i32
      %add3A_156 = arith.addi %add3A_154, %add3A_155 : i32
      %lt3A_157 = arith.constant 32 : i32
      %lt3A_158 = arith.cmpi slt, %add3A_156, %lt3A_157 : i32
      %ge3A_159 = arith.constant 4 : i32
      %ge3A_160 = arith.cmpi sge, %add3A_156, %ge3A_159 : i32
      %and3A_161 = arith.andi %lt3A_158, %ge3A_160 : i1
      %convert_element_type3A_162 = arith.extui %and3A_161 : i1 to i32
      %cond3A_163 = arith.constant 0 : i32
      %cond3A_164 = arith.cmpi ne, %convert_element_type3A_162, %cond3A_163 : i32
      scf.if %cond3A_164 {
        %sub3A_225 = arith.constant 4 : i32
        %sub3A_226 = arith.subi %add3A_156, %sub3A_225 : i32
        %mul3A_227 = arith.constant 16 : i32
        %mul3A_228 = arith.muli %sub3A_226, %mul3A_227 : i32
        %add3A_229 = arith.addi %mul3A_32, %mul3A_228 : i32
        %dma_wait3A_230 = arith.constant 0 : i32
        %dma_wait3A_231 = tpu.memref_slice %arg4[%select_n3A, %add3A_229, %dma_wait3A_230] : memref<4x4096x1024xf32, #tpu.memory_space<hbm>> -> memref<1x16x1024xf32, #tpu.memory_space<hbm>>
        %dma_wait3A_232 = tpu.memref_squeeze %dma_wait3A_231 : memref<1x16x1024xf32, #tpu.memory_space<hbm>> -> memref<16x1024xf32, #tpu.memory_space<hbm>>
        %dma_wait3A_233 = arith.constant 0 : i32
        %dma_wait3A_234 = tpu.memref_slice %arg4[%select_n3A, %add3A_229, %dma_wait3A_233] : memref<4x4096x1024xf32, #tpu.memory_space<hbm>> -> memref<1x16x1024xf32, #tpu.memory_space<hbm>>
        %dma_wait3A_235 = tpu.memref_squeeze %dma_wait3A_234 : memref<1x16x1024xf32, #tpu.memory_space<hbm>> -> memref<16x1024xf32, #tpu.memory_space<hbm>>
        tpu.wait_dma2 semaphore(%arg14 : memref<!tpu.dma_semaphore, #tpu.memory_space<semaphore_mem>>) src(%arg6 : memref<16x1024xf32, #tpu.memory_space<vmem>>) dst(%dma_wait3A_235 : memref<16x1024xf32, #tpu.memory_space<hbm>>)
      } else {
      }
      %lt3A_165 = arith.constant 32 : i32
      %lt3A_166 = arith.cmpi slt, %add3A_156, %lt3A_165 : i32
      %convert_element_type3A_167 = arith.extui %lt3A_166 : i1 to i32
      %cond3A_168 = arith.constant 0 : i32
      %cond3A_169 = arith.cmpi ne, %convert_element_type3A_167, %cond3A_168 : i32
      scf.if %cond3A_169 {
        %mul3A_225 = arith.constant 16 : i32
        %mul3A_226 = arith.muli %add3A_156, %mul3A_225 : i32
        %dma_start3A_227 = tpu.memref_slice %arg5[%mul3A_226] : memref<512xi32, #tpu.memory_space<vmem>> -> memref<16xi32, #tpu.memory_space<vmem>>
        %dma_start3A_228 = arith.constant 0 : i32
        %dma_start3A_229 = arith.constant 0 : i32
        %dma_start3A_230 = tpu.memref_slice %arg3[%dma_start3A_228, %dma_start3A_229] : memref<100000x1024xf32, #tpu.memory_space<hbm>> -> memref<100000x1024xf32, #tpu.memory_space<hbm>>
        tpu.enqueue_indirect_dma source(%dma_start3A_230 : memref<100000x1024xf32, #tpu.memory_space<hbm>>) target(%arg6 : memref<16x1024xf32, #tpu.memory_space<vmem>>) offsets(%dma_start3A_227 : memref<16xi32, #tpu.memory_space<vmem>>) semaphore(%arg10 : memref<!tpu.dma_semaphore, #tpu.memory_space<semaphore_mem>>)
      } else {
      }
      %mul3A_170 = arith.constant 16 : i32
      %mul3A_171 = arith.muli %add3A_154, %mul3A_170 : i32
      %dma_wait3A_172 = tpu.memref_slice %arg5[%mul3A_171] : memref<512xi32, #tpu.memory_space<vmem>> -> memref<16xi32, #tpu.memory_space<vmem>>
      %dma_wait3A_173 = arith.constant 0 : i32
      %dma_wait3A_174 = arith.constant 0 : i32
      %dma_wait3A_175 = tpu.memref_slice %arg3[%dma_wait3A_173, %dma_wait3A_174] : memref<100000x1024xf32, #tpu.memory_space<hbm>> -> memref<100000x1024xf32, #tpu.memory_space<hbm>>
      tpu.wait_indirect_dma semaphore(%arg12 : memref<!tpu.dma_semaphore, #tpu.memory_space<semaphore_mem>>) src(%dma_wait3A_175 : memref<100000x1024xf32, #tpu.memory_space<hbm>>) dst(%arg8 : memref<16x1024xf32, #tpu.memory_space<vmem>>)
      %parallel_loop3A_176 = arith.constant 0 : i32
      %parallel_loop3A_177 = arith.constant 1024 : i32
      %parallel_loop3A_178 = arith.constant 1 : i32
      scf.for %parallel_loop3A_225 = %parallel_loop3A_176 to %parallel_loop3A_177 step %parallel_loop3A_178  : i32 {
        %parallel_loop3A_226 = arith.constant 6 : i32
        %parallel_loop3A_227 = arith.shrsi %parallel_loop3A_225, %parallel_loop3A_226 : i32
        %parallel_loop3A_228 = arith.constant 63 : i32
        %parallel_loop3A_229 = arith.andi %parallel_loop3A_225, %parallel_loop3A_228 : i32
        %parallel_loop3A_230 = arith.constant 16 : i32
        %parallel_loop3A_231 = arith.muli %parallel_loop3A_229, %parallel_loop3A_230 : i32
        %parallel_loop3A_232 = arith.index_cast %parallel_loop3A_227 : i32 to index
        %parallel_loop3A_233 = arith.index_cast %parallel_loop3A_231 : i32 to index
        %parallel_loop3A_234 = tpu.vector_load %arg8[%parallel_loop3A_232, %parallel_loop3A_233] {strides = array<i32>} : memref<16x1024xf32, #tpu.memory_space<vmem>>, vector<1x16xf32>,
        %parallel_loop3A_235 = vector.shape_cast %parallel_loop3A_234 : vector<1x16xf32> to vector<16xf32>
        %parallel_loop3A_236 = arith.constant 3.200000e+01 : f32
        %parallel_loop3A_237 = vector.broadcast %parallel_loop3A_236 : f32 to vector<16xf32>
        %parallel_loop3A_238 = arith.mulf %parallel_loop3A_235, %parallel_loop3A_237 : vector<16xf32>
        %parallel_loop3A_239 = arith.index_cast %parallel_loop3A_227 : i32 to index
        %parallel_loop3A_240 = arith.index_cast %parallel_loop3A_231 : i32 to index
        %parallel_loop3A_241 = tpu.vector_load %arg8[%parallel_loop3A_239, %parallel_loop3A_240] {strides = array<i32>} : memref<16x1024xf32, #tpu.memory_space<vmem>>, vector<1x16xf32>,
        %parallel_loop3A_242 = vector.shape_cast %parallel_loop3A_241 : vector<1x16xf32> to vector<16xf32>
        %parallel_loop3A_243 = vector.shape_cast %parallel_loop3A_238 : vector<16xf32> to vector<1x16xf32>
        tpu.vector_store %arg8[%parallel_loop3A_239, %parallel_loop3A_240], %parallel_loop3A_243 {strides = array<i32>} : memref<16x1024xf32, #tpu.memory_space<vmem>>, vector<1x16xf32>,
      } {sc.loop_unroll_factor = 4 : i64, sc.parallel_access}
      %mul3A_179 = arith.constant 16 : i32
      %mul3A_180 = arith.muli %add3A_154, %mul3A_179 : i32
      %add3A_181 = arith.addi %mul3A_32, %mul3A_180 : i32
      %dma_start3A_182 = arith.constant 0 : i32
      %dma_start3A_183 = tpu.memref_slice %arg4[%select_n3A, %add3A_181, %dma_start3A_182] : memref<4x4096x1024xf32, #tpu.memory_space<hbm>> -> memref<1x16x1024xf32, #tpu.memory_space<hbm>>
      %dma_start3A_184 = tpu.memref_squeeze %dma_start3A_183 : memref<1x16x1024xf32, #tpu.memory_space<hbm>> -> memref<16x1024xf32, #tpu.memory_space<hbm>>
      %dma_start3A_185 = arith.constant 0 : i32
      %dma_start3A_186 = tpu.memref_slice %arg4[%select_n3A, %add3A_181, %dma_start3A_185] : memref<4x4096x1024xf32, #tpu.memory_space<hbm>> -> memref<1x16x1024xf32, #tpu.memory_space<hbm>>
      %dma_start3A_187 = tpu.memref_squeeze %dma_start3A_186 : memref<1x16x1024xf32, #tpu.memory_space<hbm>> -> memref<16x1024xf32, #tpu.memory_space<hbm>>
      tpu.enqueue_dma source(%arg8 : memref<16x1024xf32, #tpu.memory_space<vmem>>) target(%dma_start3A_187 : memref<16x1024xf32, #tpu.memory_space<hbm>>) target_semaphore(%arg16 : memref<!tpu.dma_semaphore, #tpu.memory_space<semaphore_mem>>)
      %mul3A_188 = arith.constant 4 : i32
      %mul3A_189 = arith.muli %scan3A_80, %mul3A_188 : i32
      %add3A_190 = arith.constant 3 : i32
      %add3A_191 = arith.addi %mul3A_189, %add3A_190 : i32
      %add3A_192 = arith.constant 2 : i32
      %add3A_193 = arith.addi %add3A_191, %add3A_192 : i32
      %lt3A_194 = arith.constant 32 : i32
      %lt3A_195 = arith.cmpi slt, %add3A_193, %lt3A_194 : i32
      %ge3A_196 = arith.constant 4 : i32
      %ge3A_197 = arith.cmpi sge, %add3A_193, %ge3A_196 : i32
      %and3A_198 = arith.andi %lt3A_195, %ge3A_197 : i1
      %convert_element_type3A_199 = arith.extui %and3A_198 : i1 to i32
      %cond3A_200 = arith.constant 0 : i32
      %cond3A_201 = arith.cmpi ne, %convert_element_type3A_199, %cond3A_200 : i32
      scf.if %cond3A_201 {
        %sub3A_225 = arith.constant 4 : i32
        %sub3A_226 = arith.subi %add3A_193, %sub3A_225 : i32
        %mul3A_227 = arith.constant 16 : i32
        %mul3A_228 = arith.muli %sub3A_226, %mul3A_227 : i32
        %add3A_229 = arith.addi %mul3A_32, %mul3A_228 : i32
        %dma_wait3A_230 = arith.constant 0 : i32
        %dma_wait3A_231 = tpu.memref_slice %arg4[%select_n3A, %add3A_229, %dma_wait3A_230] : memref<4x4096x1024xf32, #tpu.memory_space<hbm>> -> memref<1x16x1024xf32, #tpu.memory_space<hbm>>
        %dma_wait3A_232 = tpu.memref_squeeze %dma_wait3A_231 : memref<1x16x1024xf32, #tpu.memory_space<hbm>> -> memref<16x1024xf32, #tpu.memory_space<hbm>>
        %dma_wait3A_233 = arith.constant 0 : i32
        %dma_wait3A_234 = tpu.memref_slice %arg4[%select_n3A, %add3A_229, %dma_wait3A_233] : memref<4x4096x1024xf32, #tpu.memory_space<hbm>> -> memref<1x16x1024xf32, #tpu.memory_space<hbm>>
        %dma_wait3A_235 = tpu.memref_squeeze %dma_wait3A_234 : memref<1x16x1024xf32, #tpu.memory_space<hbm>> -> memref<16x1024xf32, #tpu.memory_space<hbm>>
        tpu.wait_dma2 semaphore(%arg15 : memref<!tpu.dma_semaphore, #tpu.memory_space<semaphore_mem>>) src(%arg7 : memref<16x1024xf32, #tpu.memory_space<vmem>>) dst(%dma_wait3A_235 : memref<16x1024xf32, #tpu.memory_space<hbm>>)
      } else {
      }
      %lt3A_202 = arith.constant 32 : i32
      %lt3A_203 = arith.cmpi slt, %add3A_193, %lt3A_202 : i32
      %convert_element_type3A_204 = arith.extui %lt3A_203 : i1 to i32
      %cond3A_205 = arith.constant 0 : i32
      %cond3A_206 = arith.cmpi ne, %convert_element_type3A_204, %cond3A_205 : i32
      scf.if %cond3A_206 {
        %mul3A_225 = arith.constant 16 : i32
        %mul3A_226 = arith.muli %add3A_193, %mul3A_225 : i32
        %dma_start3A_227 = tpu.memref_slice %arg5[%mul3A_226] : memref<512xi32, #tpu.memory_space<vmem>> -> memref<16xi32, #tpu.memory_space<vmem>>
        %dma_start3A_228 = arith.constant 0 : i32
        %dma_start3A_229 = arith.constant 0 : i32
        %dma_start3A_230 = tpu.memref_slice %arg3[%dma_start3A_228, %dma_start3A_229] : memref<100000x1024xf32, #tpu.memory_space<hbm>> -> memref<100000x1024xf32, #tpu.memory_space<hbm>>
        tpu.enqueue_indirect_dma source(%dma_start3A_230 : memref<100000x1024xf32, #tpu.memory_space<hbm>>) target(%arg7 : memref<16x1024xf32, #tpu.memory_space<vmem>>) offsets(%dma_start3A_227 : memref<16xi32, #tpu.memory_space<vmem>>) semaphore(%arg11 : memref<!tpu.dma_semaphore, #tpu.memory_space<semaphore_mem>>)
      } else {
      }
      %mul3A_207 = arith.constant 16 : i32
      %mul3A_208 = arith.muli %add3A_191, %mul3A_207 : i32
      %dma_wait3A_209 = tpu.memref_slice %arg5[%mul3A_208] : memref<512xi32, #tpu.memory_space<vmem>> -> memref<16xi32, #tpu.memory_space<vmem>>
      %dma_wait3A_210 = arith.constant 0 : i32
      %dma_wait3A_211 = arith.constant 0 : i32
      %dma_wait3A_212 = tpu.memref_slice %arg3[%dma_wait3A_210, %dma_wait3A_211] : memref<100000x1024xf32, #tpu.memory_space<hbm>> -> memref<100000x1024xf32, #tpu.memory_space<hbm>>
      tpu.wait_indirect_dma semaphore(%arg13 : memref<!tpu.dma_semaphore, #tpu.memory_space<semaphore_mem>>) src(%dma_wait3A_212 : memref<100000x1024xf32, #tpu.memory_space<hbm>>) dst(%arg9 : memref<16x1024xf32, #tpu.memory_space<vmem>>)
      %parallel_loop3A_213 = arith.constant 0 : i32
      %parallel_loop3A_214 = arith.constant 1024 : i32
      %parallel_loop3A_215 = arith.constant 1 : i32
      scf.for %parallel_loop3A_225 = %parallel_loop3A_213 to %parallel_loop3A_214 step %parallel_loop3A_215  : i32 {
        %parallel_loop3A_226 = arith.constant 6 : i32
        %parallel_loop3A_227 = arith.shrsi %parallel_loop3A_225, %parallel_loop3A_226 : i32
        %parallel_loop3A_228 = arith.constant 63 : i32
        %parallel_loop3A_229 = arith.andi %parallel_loop3A_225, %parallel_loop3A_228 : i32
        %parallel_loop3A_230 = arith.constant 16 : i32
        %parallel_loop3A_231 = arith.muli %parallel_loop3A_229, %parallel_loop3A_230 : i32
        %parallel_loop3A_232 = arith.index_cast %parallel_loop3A_227 : i32 to index
        %parallel_loop3A_233 = arith.index_cast %parallel_loop3A_231 : i32 to index
        %parallel_loop3A_234 = tpu.vector_load %arg9[%parallel_loop3A_232, %parallel_loop3A_233] {strides = array<i32>} : memref<16x1024xf32, #tpu.memory_space<vmem>>, vector<1x16xf32>,
        %parallel_loop3A_235 = vector.shape_cast %parallel_loop3A_234 : vector<1x16xf32> to vector<16xf32>
        %parallel_loop3A_236 = arith.constant 3.200000e+01 : f32
        %parallel_loop3A_237 = vector.broadcast %parallel_loop3A_236 : f32 to vector<16xf32>
        %parallel_loop3A_238 = arith.mulf %parallel_loop3A_235, %parallel_loop3A_237 : vector<16xf32>
        %parallel_loop3A_239 = arith.index_cast %parallel_loop3A_227 : i32 to index
        %parallel_loop3A_240 = arith.index_cast %parallel_loop3A_231 : i32 to index
        %parallel_loop3A_241 = tpu.vector_load %arg9[%parallel_loop3A_239, %parallel_loop3A_240] {strides = array<i32>} : memref<16x1024xf32, #tpu.memory_space<vmem>>, vector<1x16xf32>,
        %parallel_loop3A_242 = vector.shape_cast %parallel_loop3A_241 : vector<1x16xf32> to vector<16xf32>
        %parallel_loop3A_243 = vector.shape_cast %parallel_loop3A_238 : vector<16xf32> to vector<1x16xf32>
        tpu.vector_store %arg9[%parallel_loop3A_239, %parallel_loop3A_240], %parallel_loop3A_243 {strides = array<i32>} : memref<16x1024xf32, #tpu.memory_space<vmem>>, vector<1x16xf32>,
      } {sc.loop_unroll_factor = 4 : i64, sc.parallel_access}
      %mul3A_216 = arith.constant 16 : i32
      %mul3A_217 = arith.muli %add3A_191, %mul3A_216 : i32
      %add3A_218 = arith.addi %mul3A_32, %mul3A_217 : i32
      %dma_start3A_219 = arith.constant 0 : i32
      %dma_start3A_220 = tpu.memref_slice %arg4[%select_n3A, %add3A_218, %dma_start3A_219] : memref<4x4096x1024xf32, #tpu.memory_space<hbm>> -> memref<1x16x1024xf32, #tpu.memory_space<hbm>>
      %dma_start3A_221 = tpu.memref_squeeze %dma_start3A_220 : memref<1x16x1024xf32, #tpu.memory_space<hbm>> -> memref<16x1024xf32, #tpu.memory_space<hbm>>
      %dma_start3A_222 = arith.constant 0 : i32
      %dma_start3A_223 = tpu.memref_slice %arg4[%select_n3A, %add3A_218, %dma_start3A_222] : memref<4x4096x1024xf32, #tpu.memory_space<hbm>> -> memref<1x16x1024xf32, #tpu.memory_space<hbm>>
      %dma_start3A_224 = tpu.memref_squeeze %dma_start3A_223 : memref<1x16x1024xf32, #tpu.memory_space<hbm>> -> memref<16x1024xf32, #tpu.memory_space<hbm>>
      tpu.enqueue_dma source(%arg9 : memref<16x1024xf32, #tpu.memory_space<vmem>>) target(%dma_start3A_224 : memref<16x1024xf32, #tpu.memory_space<hbm>>) target_semaphore(%arg17 : memref<!tpu.dma_semaphore, #tpu.memory_space<semaphore_mem>>)
    }
    %scan3A_48 = arith.constant 8 : i32
    %add3A_49 = arith.constant 448 : i32
    %add3A_50 = arith.addi %mul3A_32, %add3A_49 : i32
    %dma_wait3A = arith.constant 0 : i32
    %dma_wait3A_51 = tpu.memref_slice %arg4[%select_n3A, %add3A_50, %dma_wait3A] : memref<4x4096x1024xf32, #tpu.memory_space<hbm>> -> memref<1x16x1024xf32, #tpu.memory_space<hbm>>
    %dma_wait3A_52 = tpu.memref_squeeze %dma_wait3A_51 : memref<1x16x1024xf32, #tpu.memory_space<hbm>> -> memref<16x1024xf32, #tpu.memory_space<hbm>>
    %dma_wait3A_53 = arith.constant 0 : i32
    %dma_wait3A_54 = tpu.memref_slice %arg4[%select_n3A, %add3A_50, %dma_wait3A_53] : memref<4x4096x1024xf32, #tpu.memory_space<hbm>> -> memref<1x16x1024xf32, #tpu.memory_space<hbm>>
    %dma_wait3A_55 = tpu.memref_squeeze %dma_wait3A_54 : memref<1x16x1024xf32, #tpu.memory_space<hbm>> -> memref<16x1024xf32, #tpu.memory_space<hbm>>
    tpu.wait_dma2 semaphore(%arg14 : memref<!tpu.dma_semaphore, #tpu.memory_space<semaphore_mem>>) src(%arg6 : memref<16x1024xf32, #tpu.memory_space<vmem>>) dst(%dma_wait3A_55 : memref<16x1024xf32, #tpu.memory_space<hbm>>)
    %add3A_56 = arith.constant 464 : i32
    %add3A_57 = arith.addi %mul3A_32, %add3A_56 : i32
    %dma_wait3A_58 = arith.constant 0 : i32
    %dma_wait3A_59 = tpu.memref_slice %arg4[%select_n3A, %add3A_57, %dma_wait3A_58] : memref<4x4096x1024xf32, #tpu.memory_space<hbm>> -> memref<1x16x1024xf32, #tpu.memory_space<hbm>>
    %dma_wait3A_60 = tpu.memref_squeeze %dma_wait3A_59 : memref<1x16x1024xf32, #tpu.memory_space<hbm>> -> memref<16x1024xf32, #tpu.memory_space<hbm>>
    %dma_wait3A_61 = arith.constant 0 : i32
    %dma_wait3A_62 = tpu.memref_slice %arg4[%select_n3A, %add3A_57, %dma_wait3A_61] : memref<4x4096x1024xf32, #tpu.memory_space<hbm>> -> memref<1x16x1024xf32, #tpu.memory_space<hbm>>
    %dma_wait3A_63 = tpu.memref_squeeze %dma_wait3A_62 : memref<1x16x1024xf32, #tpu.memory_space<hbm>> -> memref<16x1024xf32, #tpu.memory_space<hbm>>
    tpu.wait_dma2 semaphore(%arg15 : memref<!tpu.dma_semaphore, #tpu.memory_space<semaphore_mem>>) src(%arg7 : memref<16x1024xf32, #tpu.memory_space<vmem>>) dst(%dma_wait3A_63 : memref<16x1024xf32, #tpu.memory_space<hbm>>)
    %add3A_64 = arith.constant 480 : i32
    %add3A_65 = arith.addi %mul3A_32, %add3A_64 : i32
    %dma_wait3A_66 = arith.constant 0 : i32
    %dma_wait3A_67 = tpu.memref_slice %arg4[%select_n3A, %add3A_65, %dma_wait3A_66] : memref<4x4096x1024xf32, #tpu.memory_space<hbm>> -> memref<1x16x1024xf32, #tpu.memory_space<hbm>>
    %dma_wait3A_68 = tpu.memref_squeeze %dma_wait3A_67 : memref<1x16x1024xf32, #tpu.memory_space<hbm>> -> memref<16x1024xf32, #tpu.memory_space<hbm>>
    %dma_wait3A_69 = arith.constant 0 : i32
    %dma_wait3A_70 = tpu.memref_slice %arg4[%select_n3A, %add3A_65, %dma_wait3A_69] : memref<4x4096x1024xf32, #tpu.memory_space<hbm>> -> memref<1x16x1024xf32, #tpu.memory_space<hbm>>
    %dma_wait3A_71 = tpu.memref_squeeze %dma_wait3A_70 : memref<1x16x1024xf32, #tpu.memory_space<hbm>> -> memref<16x1024xf32, #tpu.memory_space<hbm>>
    tpu.wait_dma2 semaphore(%arg16 : memref<!tpu.dma_semaphore, #tpu.memory_space<semaphore_mem>>) src(%arg8 : memref<16x1024xf32, #tpu.memory_space<vmem>>) dst(%dma_wait3A_71 : memref<16x1024xf32, #tpu.memory_space<hbm>>)
    %add3A_72 = arith.constant 496 : i32
    %add3A_73 = arith.addi %mul3A_32, %add3A_72 : i32
    %dma_wait3A_74 = arith.constant 0 : i32
    %dma_wait3A_75 = tpu.memref_slice %arg4[%select_n3A, %add3A_73, %dma_wait3A_74] : memref<4x4096x1024xf32, #tpu.memory_space<hbm>> -> memref<1x16x1024xf32, #tpu.memory_space<hbm>>
    %dma_wait3A_76 = tpu.memref_squeeze %dma_wait3A_75 : memref<1x16x1024xf32, #tpu.memory_space<hbm>> -> memref<16x1024xf32, #tpu.memory_space<hbm>>
    %dma_wait3A_77 = arith.constant 0 : i32
    %dma_wait3A_78 = tpu.memref_slice %arg4[%select_n3A, %add3A_73, %dma_wait3A_77] : memref<4x4096x1024xf32, #tpu.memory_space<hbm>> -> memref<1x16x1024xf32, #tpu.memory_space<hbm>>
    %dma_wait3A_79 = tpu.memref_squeeze %dma_wait3A_78 : memref<1x16x1024xf32, #tpu.memory_space<hbm>> -> memref<16x1024xf32, #tpu.memory_space<hbm>>
    tpu.wait_dma2 semaphore(%arg17 : memref<!tpu.dma_semaphore, #tpu.memory_space<semaphore_mem>>) src(%arg9 : memref<16x1024xf32, #tpu.memory_space<vmem>>) dst(%dma_wait3A_79 : memref<16x1024xf32, #tpu.memory_space<hbm>>)
    return
  }
}

</mosaic_0001>

<sc_bundles>
// kernel: kernel.3.cloned.1.call-start
scs
__scs_entry_jumppad:
0x0: {  	(pc) =	sbr.rel $0x88, $3  }
0x1: {  	(tag) =	ssettag $0x0;
	lr =	simm.s32 $0x1  }
0x2: {  	[smem:$0x3F9F] =	sst lr;
	_ =	strace $0xD0000000  }
0x3: {  	_ = 	snop  }
0x4: {  	_ = 	snop  }
0x5: {  	_ = 	snop  }
0x6: {  	_ = 	snop  }
0x7: {  	_ = 	snop  }
__scs_overlays_trampoline_lowered:
0x8: {  	[smem:$0x3FAE] =	sst s0  }
0x9: {  	[smem:$0x3FAF] =	sst s1  }
0xa: {  	[smem:$0x3FB0] =	sst s2  }
0xb: {  	[smem:$0x3FB1] =	sst s3  }
0xc: {  	[smem:$0x3FB2] =	sst s4  }
0xd: {  	[smem:$0x3FB3] =	sst s5  }
0xe: {  	[smem:$0x3FB4] =	sst s6  }
0xf: {  	[smem:$0x3FB5] =	sst s7  }
0x10: {  	[smem:$0x3FB6] =	sst s8  }
0x11: {  	[smem:$0x3FB7] =	sst s9;
	s0 =	simm.s32 @!p0 $0x0  }
0x12: {  	s1 =	sld [smem:$0x3F9D];
	s0 =	simm.s32 @p0 $0x1  }
0x13: {  	[smem:$0x3FB8] =	sst s0;
	s0 =	simm.s32 @!p1 $0x0  }
0x14: {  	s2 =	sld [smem:$0x3F9C];
	s0 =	simm.s32 @p1 $0x1  }
0x15: {  	[smem:$0x3FB9] =	sst s0;
	s0 =	simm.s32 @!p2 $0x0  }
0x16: {  	s3 =	sld [smem:$0x3FDB];
	s0 =	simm.s32 @p2 $0x1  }
0x17: {  	s4 =	simm.s32 $0x1BF5;
	[smem:$0x3FBB] =	sst s0  }
0x18: {  	s0 =	sld [smem:$0x3F9E];
	_ =	swait.ge [sflag:s4], $0x0  }
0x19: {  	s7 =	sld [smem:$0x3F9F]  }
0x1a: {  	s8 =	sadd.s32 $0xFFFFE003, lr  }
0x1b: {  	s9 =	sadd.s32 $0xFFFFFEF7, lr;
	s5 =	simm.s32 $0xFFFFFFFF;
	p2 =	slt.u32 s8, $0xFFFFF086  }
0x1c: {  	p1 =	slt.u32 s9, $0xF7A;
	s5 =	simm.s32 @!p2 $0x0  }
0x1d: {  	s5 =	simm.s32 @p1 $0x1;
	p0 =	seq.s32 s7, s2  }
0x1e: {  	s7 =	smul.u32 @!p0 $0xF7A, s2;
	p2 =	seq.s32 @!p0 s5, $0x0  }
0x1f: {  	s9 =	smul.u32 $0xF7A, s1;
	s8 =	simm.s32 @!p0 $0x1BF5;
	p2 =	por !p2, p0  }
0x20: {  	[sflag:s8] =	ssyncset.s32 @!p0 $0xFFFFF086;
	s6 =	sadd.s32 @!p0 s3, s7;
	s7 =	simm.s32 @!p0 $0x108  }
0x21: {  	s3 =	sadd.s32 s3, s9;
	s6 =	sadd.s32 @!p0 $0x88, s6;
	s7 =	simm.s32 @p2 $0x1082  }
0x22: {  	[simem:s7], [sflag:s8] =	dma.local @!p0 [hbm:s6], $0xF7A  }
0x23: {  	s9 =	sor.u32 $0xD0000000, s2;
	s6 =	simm.s32 $0x108;
	_ =	swait.ge @!p0 [sflag:s8], $0x0  }
0x24: {  	s3 =	sadd.s32 $0x88, s3;
	s6 =	simm.s32 @!p1 $0x1082;
	[sflag:s4] =	ssyncset.s32 $0xFFFFF086  }
0x25: {  	[simem:s6], [sflag:s4] =	dma.local [hbm:s3], $0xF7A  }
0x26: {  	[smem:$0x3F9F] =	sst s1;
	(tag) =	ssettag s2;
	_ =	strace s9  }
0x27: {  	s1 =	sld [smem:$0x3FAF]  }
0x28: {  	s2 =	sld [smem:$0x3FB0]  }
0x29: {  	s4 =	sld [smem:$0x3FB2]  }
0x2a: {  	p0 =	seq.s32 s5, $0x0;
	s5 =	sld [smem:$0x3FB3]  }
0x2b: {  	s6 =	sld [smem:$0x3FB4]  }
0x2c: {  	s7 =	sld [smem:$0x3FB5]  }
0x2d: {  	s3 =	simm.s32 $0x108;
	s8 =	sld [smem:$0x3FB6]  }
0x2e: {  	s3 =	simm.s32 @!p0 $0x1082;
	s9 =	sld [smem:$0x3FB7]  }
0x2f: {  	lr =	sadd.s32 s0, s3;
	s0 =	sld [smem:$0x3FAE]  }
0x30: {  	s3 =	sld [smem:$0x3FB1]  }
0x31: {  	[smem:$0x3FBA] =	sst s10  }
0x32: {  	s10 =	sld [smem:$0x3FB8];
	_ =	sdelay $0x3  }
0x33: {  	p0 =	seq.s32 s10, $0x1;
	s10 =	sld [smem:$0x3FBA];
	_ =	sdelay $0x3  }
0x34: {  	[smem:$0x3FBA] =	sst s10  }
0x35: {  	s10 =	sld [smem:$0x3FB9];
	_ =	sdelay $0x3  }
0x36: {  	p1 =	seq.s32 s10, $0x1;
	s10 =	sld [smem:$0x3FBA];
	_ =	sdelay $0x3  }
0x37: {  	[smem:$0x3FBA] =	sst s10  }
0x38: {  	s10 =	sld [smem:$0x3FBB]  }
0x39: {  	_ = 	snop;
	(pc) =	sbr.ind lr, $3  }
0x3a: {  	_ = 	snop  }
0x3b: {  	_ = 	snop  }
0x3c: {  	p2 =	seq.s32 s10, $0x1;
	s10 =	sld [smem:$0x3FBA]  }
0x3d: {  	_ =	shalt  }
0x3e: {  	_ =	shalt  }
0x3f: {  	_ =	shalt  }
0x40: {  	_ =	shalt  }
0x41: {  	_ =	shalt  }
0x42: {  	_ =	shalt  }
0x43: {  	_ =	shalt  }
0x44: {  	_ =	shalt  }
0x45: {  	_ =	shalt  }
0x46: {  	_ =	shalt  }
0x47: {  	_ =	shalt  }
0x48: {  	_ =	shalt  }
0x49: {  	_ =	shalt  }
0x4a: {  	_ =	shalt  }
0x4b: {  	_ =	shalt  }
0x4c: {  	_ =	shalt  }
0x4d: {  	_ =	shalt  }
0x4e: {  	_ =	shalt  }
0x4f: {  	_ =	shalt  }
0x50: {  	_ =	shalt  }
0x51: {  	_ =	shalt  }
0x52: {  	_ =	shalt  }
0x53: {  	_ =	shalt  }
0x54: {  	_ =	shalt  }
0x55: {  	_ =	shalt  }
0x56: {  	_ =	shalt  }
0x57: {  	_ =	shalt  }
0x58: {  	_ =	shalt  }
0x59: {  	_ =	shalt  }
0x5a: {  	_ =	shalt  }
0x5b: {  	_ =	shalt  }
0x5c: {  	_ =	shalt  }
0x5d: {  	_ =	shalt  }
0x5e: {  	_ =	shalt  }
0x5f: {  	_ =	shalt  }
0x60: {  	_ =	shalt  }
0x61: {  	_ =	shalt  }
0x62: {  	_ =	shalt  }
0x63: {  	_ =	shalt  }
0x64: {  	_ =	shalt  }
0x65: {  	_ =	shalt  }
0x66: {  	_ =	shalt  }
0x67: {  	_ =	shalt  }
0x68: {  	_ =	shalt  }
0x69: {  	_ =	shalt  }
0x6a: {  	_ =	shalt  }
0x6b: {  	_ =	shalt  }
0x6c: {  	_ =	shalt  }
0x6d: {  	_ =	shalt  }
0x6e: {  	_ =	shalt  }
0x6f: {  	_ =	shalt  }
0x70: {  	_ =	shalt  }
0x71: {  	_ =	shalt  }
0x72: {  	_ =	shalt  }
0x73: {  	_ =	shalt  }
0x74: {  	_ =	shalt  }
0x75: {  	_ =	shalt  }
0x76: {  	_ =	shalt  }
0x77: {  	_ =	shalt  }
0x78: {  	_ =	shalt  }
0x79: {  	_ =	shalt  }
0x7a: {  	_ =	shalt  }
0x7b: {  	_ =	shalt  }
0x7c: {  	_ =	shalt  }
0x7d: {  	_ =	shalt  }
0x7e: {  	_ =	shalt  }
0x7f: {  	_ =	shalt  }
0x80: {  	_ =	shalt  }
0x81: {  	_ =	shalt  }
0x82: {  	_ =	shalt  }
0x83: {  	_ =	shalt  }
0x84: {  	_ =	shalt  }
0x85: {  	_ =	shalt  }
0x86: {  	_ =	shalt  }
0x87: {  	_ =	shalt  }
.Lfunc_end0:
.L_simem_size_0:
called_computation_lowered:
.L_overlay_start_0:
0x88: {  	s2 =	sld [smem:$0x3FD9]  }
0x89: {  	s3 =	sld [smem:$0x3FFE];
	_ =	sdelay $0x1  }
0x8a: {  	s1 =	srdreg.scid  }
0x8b: {  	s0 =	sand.u32 $0x1, s1  }
0x8c: {  	s18 =	sshll.u32 s0, $0xA;
	s2 =	sadd.s32 s3, s2  }
0x8d: {  	s2 =	sadd.s32 s2, s18  }
0x8e: {  	[smem:$0x3FC6] =	sst s2  }
0x8f: {  	_ = 	snop  }
0x90: {  	s2 =	sld [smem:$0x3FC9]  }
0x91: {  	s19 =	sld [smem:$0x3FC8]  }
0x92: {  	s4 =	sld [smem:$0x3FD0];
	(tm) =	ssettm $0x1  }
0x93: {  	s5 =	sld [smem:$0x3FFB];
	_ =	sdelay $0x3  }
0x94: {  	_ =	strace s5  }
0x95: {  	s5 =	sld [smem:$0x3FFC];
	_ =	sdelay $0x3  }
0x96: {  	_ =	strace s5  }
0x97: {  	s5 =	sld [smem:$0x3FFD];
	_ =	sdelay $0x3  }
0x98: {  	_ =	strace s5  }
0x99: {  	_ =	strace $0x8FFFFFFF  }
0x9a: {  	s20 =	sld [smem:$0x3FDB];
	_ =	sdelay $0x1  }
0x9b: {  	s6 =	simm.s32 $_scs_section_size  }
0x9c: {  	s7 =	simm.s32 $_size__tile_overlayer_lowered;
	s8 =	simm.s32 $_tile_overlayer_lowered  }
0x9d: {  	s23 =	simm.s32 $0x1BFF;
	s22 =	sshll.u32 s8, $0x1;
	s5 =	sadd.s32 s6, s20  }
0x9e: {  	s9 =	simm.s32 $0x0;
	s21 =	sshll.u32 s7, $0x1;
	s7 =	sadd.s32 s22, s5  }
0x9f: {  	[timem:s9], [sflag:s23] =	dma.local [hbm:s7], s21  }
0xa0: {  	_ =	swait.ge [sflag:s23], s21  }
0xa1: {  	s6 =	ssub.s32 $0x0, s21;
	[sflag:s23] =	ssyncset.done $0x0  }
0xa2: {  	[sflag:s23] =	ssyncadd.s32 s6;
	_ =	sdelay $0x1  }
0xa3: {  	s24 =	simm.s32 $0x1B8B  }
0xa4: {  	_ =	swait.ge [sflag:s24], $0x1  }
0xa5: {  	[sflag:s24] =	ssyncset.done $0x0  }
0xa6: {  	s25 =	simm.s32 $0x1B8E;
	[sflag:s24] =	ssyncadd.s32 $0xFFFFFFFF  }
0xa7: {  	s26 =	simm.s32 $execute0_lowered;
	[smem:$0x3FD2] =	sst s25  }
0xa8: {  	s6 =	sshll.u32 s26, $0x1;
	_ =	strace $0x80000046;
	[dreg:$0x1] =	wrdreg $0xFFFFFFFF  }
0xa9: {  	s28 =	simm.s32 $_size_execute0_lowered;
	s5 =	sadd.s32 s5, s6;
	[dreg:$0x0] =	wrdreg $0x0  }
0xaa: {  	s6 =	sshll.u32 s28, $0x1;
	[dreg:$0x2] =	wrdreg s5  }
0xab: {  	[dreg:$0x3] =	wrdreg s6  }
0xac: {  	[dreg:$0x4] =	wrdreg $0xC0  }
0xad: {  	_ =	task [dreg:s9], $0x5FFFF  }
0xae: {  	[dreg:$0x1] =	wrdreg $0xFFFFFFFF  }
0xaf: {  	[dreg:$0x0] =	wrdreg $0x60  }
0xb0: {  	[dreg:$0x2] =	wrdreg s2  }
0xb1: {  	[dreg:$0x3] =	wrdreg s19  }
0xb2: {  	[dreg:$0x4] =	wrdreg s4  }
0xb3: {  	[dreg:$0x5] =	wrdreg $0x9  }
0xb4: {  	_ =	task.clear_ibuf [dreg:s9], $0x6FFFF;
	_ =	strace $0x90000046  }
0xb5: {  	s29 =	simm.s32 $0x9;
	_ =	strace $0x80000048  }
0xb6: {  	_ =	swait.ge [sflag:s29], $0x1  }
0xb7: {  	[sflag:s29] =	ssyncadd.s32 $0xFFFFFFFF  }
0xb8: {  	_ =	strace $0x90000048  }
0xb9: {  	_ =	sfence  }
0xba: {  	s30 =	sld [smem:$0x0];
	_ =	sdelay $0x2  }
0xbb: {  	s31 =	sshll.u32 s1, $0xD;
	s1 =	sshrl.u32 s1, $0x2  }
0xbc: {  	s3 =	sand.u32 $0x4000, s31;
	s1 =	sadd.s32 s1, s30  }
0xbd: {  	s0 =	sor.u32 s3, s0;
	s1 =	sshll.u32 s1, $0x11  }
0xbe: {  	s0 =	sor.u32 s1, s0  }
0xbf: {  	s0 =	sadd.s32 $0x8F2B, s0  }
0xc0: {  	[sflag:s0] =	ssyncadd.remote.s32 $0x1  }
0xc1: {  	_ =	sfence.sel $0xFFFF  }
0xc2: {  	[dreg:$0x0] =	wrdreg $0xFFFFFFFF;
	(pc) =	sbr.abs _section_cstart, $3  }
0xc3: {  	[dreg:$0x1] =	wrdreg $0xFFFFFFFF  }
0xc4: {  	_ =	task.clear_ibuf [dreg:s9], $0x2FFFF;
	_ =	strace $0x9FFFFFFF  }
0xc5: {  	(tm) =	ssettm $0x7FFFFFFF  }
tec
execute0_lowered:
.L_overlay_start_1:
0x0: {  	(tag) =	ssettag $0x1  }
0x1: {  	s0 =	rddreg [dreg:$0x0]  }
0x2: {  	s2 =	rddreg [dreg:$0x1]  }
0x3: {  	s3 =	rddreg [dreg:$0x2]  }
0x4: {  	s6 =	stileid.u32;
	s1 =	srdreg.scid  }
0x5: {  	s4 =	simm.s32 $0x0;
	s14 =	simm.s32 $0x200;
	s21 =	simm.s32 $0x1  }
0x6: {  	s28 =	simm.s32 $0xE200;
	s29 =	simm.s32 $0xEA00;
	s30 =	simm.s32 $0xF200  }
0x7: {  	s31 =	simm.s32 $0xFA00;
	s12 =	simm.s32 $0x3;
	s15 =	simm.s32 $0x0  }
0x8: {  	s5 =	sshll.u32 s6, $0x1;
	s1 =	sand.u32 $0x1, s1;
	s8 =	sshrl.u32 s6, $0x2  }
0x9: {  	[smem:$0x7FF] =	sst s4;
	s5 =	sand.u32 $0x6, s5;
	s7 =	sshll.u32 s8, $0x4  }
0xa: {  	_ =	strace $0x80000047;
	s25 =	sshll.u32 s8, $0x16;
	s5 =	sor.u32 s1, s5  }
0xb: {  	s8 =	sadd.s32 $0x300, s2;
	s1 =	ssub.s32 $0x2, s1;
	s23 =	sshll.u32 s5, $0x8  }
0xc: {  	s9 =	sshrl.u32 s1, $0x1;
	s5 =	sshll.u32 s5, $0x13;
	s6 =	sor.u32 s7, s23  }
0xd: {  	s1 =	ssub.s32 s1, s9;
	s7 =	sadd.s32 $0x200, s2;
	s10 =	sor.u32 s25, s5  }
0xe: {  	s23 =	simm.s32 $0xC200;
	s5 =	simm.s32 $0x4;
	s24 =	sadd.s32 s0, s6  }
0xf: {  	v2 =	vlaneseq.u32;
	s6 =	sadd.s32 $0x100, s2;
	s26 =	smax.u32 s1, $0x1;
	[dreg:$0x4] =	wrdreg s24  }
0x10: {  	vm0 =	vmmov $0xffff;
	v1 =	vshrl.u32 v2, $0x3;
	s11 =	sor.u32 $0x4000, s10;
	s9 =	sadd.s32 $0x40, s24;
	[dreg:$0x6] =	wrdreg s26  }
0x11: {  	v0 =	vand.u32 $0x7, v2;
	v2 =	vor.u32 $0x8, v2;
	v1 =	vmul.u32 $0x8, v1;
	s0 =	simm.s32 $0x8200;
	[dreg:$0x5] =	wrdreg s9;
	s9 =	simm.s32 $0x2  }
.LBB2_1:
0x12: {  	[dreg:$0x7] =	wrdreg s15  }
0x13: {  	s1 =	rddreg [dreg:$0x4];
	s13 =	simm.s32 $0x9  }
0x14: {  	[tilespmem:s4], [sflag:$0x9] =	stream.linear.gather [hbm4b:s1+s4], $0x80, $0x38;
	[tilespmem:$0x10200] =	vst v63  }
0x15: {  	_ =	swait.ge [sflag:s13], $0x80  }
0x16: {  	[sflag:s13] =	ssyncset.done $0x0  }
0x17: {  	[sflag:s13] =	ssyncadd.s32 $0xFFFFFF80  }
0x18: {  	v3 =	vld [tilespmem:$0x0];
	_ =	sdelay $0x4  }
0x19: {  	v4 =	vshll.u32 v3, $0x3  }
0x1a: {  	v3 =	vand.u32 $0x7, v3;
	v4 =	vand.u32 $0xFFFFFFC0, v4  }
0x1b: {  	v3 =	vor.u32 v3, v4  }
0x1c: {  	v4 =	vperm.xlane v3, v0;
	_ =	sdelay $0x1  }
0x1d: {  	v4 =	vadd.s32 v1, v4;
	_ =	sdelay $0x4  }
0x1e: {  	[tilespmem:s14], [sflag:$0x1] =	stream.indirect_vreg.gather [hbm4b:s2+s4], $0x80, v4, vm0, $0xb8;
	[tilespmem:$0x10200] =	vst v63  }
0x1f: {  	s18 =	simm.s32 $0xA00;
	v3 =	vperm.xlane v3, v2  }
0x20: {  	[tilespmem:s18], [sflag:$0x1] =	stream.indirect_vreg.gather [hbm4b:s6+s4], $0x80, v4, vm0, $0xb8;
	[tilespmem:$0x10200] =	vst v63  }
0x21: {  	s19 =	simm.s32 $0x1200;
	v3 =	vadd.s32 v1, v3  }
0x22: {  	[tilespmem:s19], [sflag:$0x1] =	stream.indirect_vreg.gather [hbm4b:s7+s4], $0x80, v4, vm0, $0xb8;
	[tilespmem:$0x10200] =	vst v63  }
0x23: {  	s20 =	simm.s32 $0x1A00  }
0x24: {  	[tilespmem:s20], [sflag:$0x1] =	stream.indirect_vreg.gather [hbm4b:s8+s4], $0x80, v4, vm0, $0xb8;
	[tilespmem:$0x10200] =	vst v63  }
0x25: {  	s22 =	simm.s32 $0x2200  }
0x26: {  	[tilespmem:s22], [sflag:$0x1] =	stream.indirect_vreg.gather [hbm4b:s2+s4], $0x80, v3, vm0, $0xb8;
	[tilespmem:$0x10200] =	vst v63  }
0x27: {  	s24 =	simm.s32 $0x2A00  }
0x28: {  	[tilespmem:s24], [sflag:$0x1] =	stream.indirect_vreg.gather [hbm4b:s6+s4], $0x80, v3, vm0, $0xb8;
	[tilespmem:$0x10200] =	vst v63  }
0x29: {  	s25 =	simm.s32 $0x3200  }
0x2a: {  	[tilespmem:s25], [sflag:$0x1] =	stream.indirect_vreg.gather [hbm4b:s7+s4], $0x80, v3, vm0, $0xb8;
	[tilespmem:$0x10200] =	vst v63  }
0x2b: {  	s26 =	simm.s32 $0x3A00  }
0x2c: {  	[tilespmem:s26], [sflag:$0x1] =	stream.indirect_vreg.gather [hbm4b:s8+s4], $0x80, v3, vm0, $0xb8;
	[tilespmem:$0x10200] =	vst v63  }
0x2d: {  	v3 =	vld [tilespmem:$0x10];
	_ =	sdelay $0x4  }
0x2e: {  	v63 =	vshll.u32 v3, $0x3  }
0x2f: {  	v3 =	vand.u32 $0x7, v3;
	v4 =	vand.u32 $0xFFFFFFC0, v63  }
0x30: {  	v3 =	vor.u32 v3, v4  }
0x31: {  	v4 =	vperm.xlane v3, v0;
	_ =	sdelay $0x1  }
0x32: {  	v4 =	vadd.s32 v1, v4;
	_ =	sdelay $0x3  }
0x33: {  	s15 =	simm.s32 $0x4200  }
0x34: {  	[tilespmem:s15], [sflag:$0x2] =	stream.indirect_vreg.gather [hbm4b:s2+s4], $0x80, v4, vm0, $0xb8;
	[tilespmem:$0x10200] =	vst v63  }
0x35: {  	s16 =	simm.s32 $0x4A00;
	v3 =	vperm.xlane v3, v2  }
0x36: {  	[tilespmem:s16], [sflag:$0x2] =	stream.indirect_vreg.gather [hbm4b:s6+s4], $0x80, v4, vm0, $0xb8;
	[tilespmem:$0x10200] =	vst v63  }
0x37: {  	s17 =	simm.s32 $0x5200;
	v3 =	vadd.s32 v1, v3  }
0x38: {  	[tilespmem:s17], [sflag:$0x2] =	stream.indirect_vreg.gather [hbm4b:s7+s4], $0x80, v4, vm0, $0xb8;
	[tilespmem:$0x10200] =	vst v63  }
0x39: {  	s18 =	simm.s32 $0x5A00  }
0x3a: {  	[tilespmem:s18], [sflag:$0x2] =	stream.indirect_vreg.gather [hbm4b:s8+s4], $0x80, v4, vm0, $0xb8;
	[tilespmem:$0x10200] =	vst v63  }
0x3b: {  	s19 =	simm.s32 $0x6200  }
0x3c: {  	[tilespmem:s19], [sflag:$0x2] =	stream.indirect_vreg.gather [hbm4b:s2+s4], $0x80, v3, vm0, $0xb8;
	[tilespmem:$0x10200] =	vst v63  }
0x3d: {  	s20 =	simm.s32 $0x6A00  }
0x3e: {  	[tilespmem:s20], [sflag:$0x2] =	stream.indirect_vreg.gather [hbm4b:s6+s4], $0x80, v3, vm0, $0xb8;
	[tilespmem:$0x10200] =	vst v63  }
0x3f: {  	s22 =	simm.s32 $0x7200  }
0x40: {  	[tilespmem:s22], [sflag:$0x2] =	stream.indirect_vreg.gather [hbm4b:s7+s4], $0x80, v3, vm0, $0xb8;
	[tilespmem:$0x10200] =	vst v63  }
0x41: {  	s24 =	simm.s32 $0x7A00  }
0x42: {  	[tilespmem:s24], [sflag:$0x2] =	stream.indirect_vreg.gather [hbm4b:s8+s4], $0x80, v3, vm0, $0xb8;
	[tilespmem:$0x10200] =	vst v63  }
0x43: {  	s25 =	rddreg [dreg:$0x5];
	s26 =	simm.s32 $0x80  }
0x44: {  	[tilespmem:s26], [sflag:$0x9] =	stream.strided.gather [hbm4b:s25+s26], $0x180, s14, s26, $0x38;
	[tilespmem:$0x10200] =	vst v63  }
0x45: {  	_ =	swait.ge [sflag:s13], $0x180  }
0x46: {  	[sflag:s13] =	ssyncset.done $0x0  }
0x47: {  	[sflag:s13] =	ssyncadd.s32 $0xFFFFFE80;
	s13 =	simm.s32 $0x0  }
.LBB2_2:
0x48: {  	s1 =	sshll.u32 s13, $0x2  }
0x49: {  	s15 =	sadd.s32 $0xFFFFFFFC, s1  }
0x4a: {  	p0 =	sgt.u32 s15, $0x1B  }
0x4b: {  	s16 =	simm.s32 @!p0 $0x7  }
0x4c: {  	s15 =	sor.u32 $0x2, s1;
	_ =	swait.ge @!p0 [sflag:s16], $0x4000  }
0x4d: {  	s17 =	sshll.u32 s15, $0x4;
	[sflag:s16] =	ssyncset.done @!p0 $0x0  }
0x4e: {  	s18 =	sand.u32 $0x3FFFFFF0, s17;
	[sflag:s16] =	ssyncadd.s32 @!p0 $0xFFFFC000  }
0x4f: {  	v3 =	vld [tilespmem:s18+$0x0];
	_ =	sdelay $0x4  }
0x50: {  	v4 =	vshll.u32 v3, $0x3  }
0x51: {  	v3 =	vand.u32 $0x7, v3;
	v4 =	vand.u32 $0xFFFFFFC0, v4  }
0x52: {  	v3 =	vor.u32 v3, v4  }
0x53: {  	v4 =	vperm.xlane v3, v0;
	_ =	sdelay $0x1  }
0x54: {  	v4 =	vadd.s32 v1, v4;
	_ =	sdelay $0x3  }
0x55: {  	s16 =	simm.s32 $0x0  }
0x56: {  	[tilespmem:s0], [sflag:$0x3] =	stream.indirect_vreg.gather [hbm4b:s2+s16], $0x80, v4, vm0, $0xb8;
	[tilespmem:$0x10200] =	vst v63  }
0x57: {  	s19 =	simm.s32 $0x8A00;
	v3 =	vperm.xlane v3, v2  }
0x58: {  	[tilespmem:s19], [sflag:$0x3] =	stream.indirect_vreg.gather [hbm4b:s6+s16], $0x80, v4, vm0, $0xb8;
	[tilespmem:$0x10200] =	vst v63  }
0x59: {  	s20 =	simm.s32 $0x9200;
	v3 =	vadd.s32 v1, v3  }
0x5a: {  	[tilespmem:s20], [sflag:$0x3] =	stream.indirect_vreg.gather [hbm4b:s7+s16], $0x80, v4, vm0, $0xb8;
	[tilespmem:$0x10200] =	vst v63  }
0x5b: {  	s22 =	simm.s32 $0x9A00  }
0x5c: {  	[tilespmem:s22], [sflag:$0x3] =	stream.indirect_vreg.gather [hbm4b:s8+s16], $0x80, v4, vm0, $0xb8;
	[tilespmem:$0x10200] =	vst v63  }
0x5d: {  	s24 =	simm.s32 $0xA200  }
0x5e: {  	[tilespmem:s24], [sflag:$0x3] =	stream.indirect_vreg.gather [hbm4b:s2+s16], $0x80, v3, vm0, $0xb8;
	[tilespmem:$0x10200] =	vst v63  }
0x5f: {  	s25 =	simm.s32 $0xAA00  }
0x60: {  	[tilespmem:s25], [sflag:$0x3] =	stream.indirect_vreg.gather [hbm4b:s6+s16], $0x80, v3, vm0, $0xb8;
	[tilespmem:$0x10200] =	vst v63  }
0x61: {  	s26 =	simm.s32 $0xB200  }
0x62: {  	[tilespmem:s26], [sflag:$0x3] =	stream.indirect_vreg.gather [hbm4b:s7+s16], $0x80, v3, vm0, $0xb8;
	[tilespmem:$0x10200] =	vst v63  }
0x63: {  	s18 =	simm.s32 $0xBA00;
	s19 =	simm.s32 $0x0  }
0x64: {  	[tilespmem:s18], [sflag:$0x3] =	stream.indirect_vreg.gather [hbm4b:s8+s16], $0x80, v3, vm0, $0xb8;
	[tilespmem:$0x10200] =	vst v63  }
0x65: {  	s17 =	sand.u32 $0x2000, s19;
	s19 =	sand.u32 $0x1C00, s16;
	s18 =	simm.s32 $0x0  }
0x66: {  	s17 =	sor.u32 s19, s17;
	_ =	swait.ge [sflag:s21], $0x4000;
	s18 =	sand.u32 $0x380, s18  }
0x67: {  	s16 =	sand.u32 $0x40, s16;
	[sflag:s21] =	ssyncset.done $0x0;
	s17 =	sor.u32 s17, s18  }
0x68: {  	[sflag:s21] =	ssyncadd.s32 $0xFFFFC000;
	s16 =	sor.u32 s16, s17  }
0x69: {  	v3 =	vld [tilespmem:s16+$0x230]  }
0x6a: {  	s20 =	simm.s32 $0x200;
	s22 =	simm.s32 $0x40;
	v4 =	vld [tilespmem:s16+$0x220]  }
0x6b: {  	s24 =	simm.s32 $0x8;
	s18 =	sand.u32 $0x2000, s22;
	s17 =	sand.u32 $0x1C00, s20;
	v5 =	vld [tilespmem:s16+$0x210]  }
0x6c: {  	s19 =	sand.u32 $0x380, s24;
	s25 =	simm.s32 $0x40;
	s17 =	sor.u32 s17, s18  }
0x6d: {  	s18 =	sand.u32 $0x40, s25;
	v6 =	vld [tilespmem:s16+$0x200];
	s17 =	sor.u32 s17, s19  }
0x6e: {  	s26 =	simm.s32 $0x80;
	s19 =	sor.u32 s18, s17;
	s18 =	simm.s32 $0x400;
	v7 =	vmul.f32 $3.200000000e+01, v3  }
0x6f: {  	s20 =	simm.s32 $0x10;
	s17 =	sand.u32 $0x2000, s26;
	s24 =	sand.u32 $0x1C00, s18;
	v3 =	vld [tilespmem:s19+$0x230];
	v8 =	vmul.f32 $3.200000000e+01, v4  }
0x70: {  	s25 =	sand.u32 $0x380, s20;
	s20 =	simm.s32 $0x80;
	s17 =	sor.u32 s24, s17;
	v4 =	vld [tilespmem:s19+$0x220];
	v9 =	vmul.f32 $3.200000000e+01, v5;
	[tilespmem:s16+$0x230] =	vst v7  }
0x71: {  	s26 =	sand.u32 $0x40, s20;
	s17 =	sor.u32 s17, s25;
	v5 =	vld [tilespmem:s19+$0x210];
	[tilespmem:s16+$0x220] =	vst v8  }
0x72: {  	s24 =	simm.s32 $0x8;
	s17 =	sor.u32 s26, s17;
	v7 =	vmul.f32 $3.200000000e+01, v6;
	v6 =	vld [tilespmem:s19+$0x200];
	[tilespmem:s16+$0x210] =	vst v9  }
.LBB2_3:
0x73: {  	s24 =	sadd.s32 $0x4, s24  }
0x74: {  	s18 =	sadd.s32 $0x200, s18;
	[tilespmem:s16+$0x200] =	vst v7;
	s16 =	smov.u32 s19;
	p0 =	slt.u32 s24, $0x3FC  }
.Ltmp0:
0x75: {  	s19 =	sshll.u32 s24, $0x4;
	s25 =	sshll.u32 s24, $0x1;
	v7 =	vmul.f32 $3.200000000e+01, v3;
	(pc) =	sbr.rel @p0 .LBB2_3-.Ltmp0, $4  }
0x76: {  	s26 =	sand.u32 $0x1C00, s18;
	s19 =	sand.u32 $0x2000, s19;
	v3 =	vld [tilespmem:s17+$0x230];
	v8 =	vmul.f32 $3.200000000e+01, v4  }
0x77: {  	s20 =	sadd.s32 $0x40, s20;
	s25 =	sand.u32 $0x380, s25;
	s19 =	sor.u32 s26, s19;
	v4 =	vld [tilespmem:s17+$0x220];
	v9 =	vmul.f32 $3.200000000e+01, v5;
	[tilespmem:s16+$0x230] =	vst v7  }
0x78: {  	s26 =	sand.u32 $0x40, s20;
	s25 =	sor.u32 s19, s25;
	v5 =	vld [tilespmem:s17+$0x210];
	v7 =	vmul.f32 $3.200000000e+01, v6;
	[tilespmem:s16+$0x220] =	vst v8;
	s19 =	smov.u32 s17  }
0x79: {  	s17 =	sor.u32 s26, s25;
	v6 =	vld [tilespmem:s19+$0x200];
	[tilespmem:s16+$0x210] =	vst v9  }
0x7a: {  	v8 =	vld [tilespmem:s17+$0x230]  }
0x7b: {  	[tilespmem:s16+$0x200] =	vst v7;
	v7 =	vld [tilespmem:s17+$0x210];
	v3 =	vmul.f32 $3.200000000e+01, v3  }
0x7c: {  	v9 =	vld [tilespmem:s17+$0x220];
	v4 =	vmul.f32 $3.200000000e+01, v4  }
0x7d: {  	v5 =	vmul.f32 $3.200000000e+01, v5;
	[tilespmem:s19+$0x230] =	vst v3;
	v3 =	vld [tilespmem:s17+$0x200]  }
0x7e: {  	[tilespmem:s19+$0x220] =	vst v4;
	v4 =	vmul.f32 $3.200000000e+01, v6  }
0x7f: {  	[tilespmem:s19+$0x210] =	vst v5;
	v5 =	vmul.f32 $3.200000000e+01, v8  }
0x80: {  	v6 =	vmul.f32 $3.200000000e+01, v7;
	[tilespmem:s19+$0x200] =	vst v4  }
0x81: {  	s16 =	sshll.u32 s13, $0x10;
	v4 =	vmul.f32 $3.200000000e+01, v9;
	[tilespmem:s17+$0x230] =	vst v5  }
0x82: {  	s18 =	sadd.s32 s10, s16;
	[tilespmem:s17+$0x210] =	vst v6;
	v3 =	vmul.f32 $3.200000000e+01, v3  }
0x83: {  	p0 =	seq.s32 s13, $0x0;
	s18 =	sshrl.u32 s18, $0x3;
	[tilespmem:s17+$0x220] =	vst v4  }
0x84: {  	s22 =	sadd.s32 s3, s18;
	[tilespmem:s17+$0x200] =	vst v3;
	s17 =	simm.s32 @!p0 $0x8  }
0x85: {  	[hbm4b:s22+s4] =	stream.linear.scatter [tilespmem:s14], [sflag:$0x5], $0x4000, $0x38;
	[tilespmem:$0x10200] =	vst v63  }
0x86: {  	s1 =	sor.u32 $0x3, s1;
	_ =	swait.ge @!p0 [sflag:s17], $0x4000  }
0x87: {  	s24 =	sshll.u32 s1, $0x4;
	[sflag:s17] =	ssyncset.done @!p0 $0x0  }
0x88: {  	s25 =	sand.u32 $0x3FFFFFF0, s24;
	[sflag:s17] =	ssyncadd.s32 @!p0 $0xFFFFC000  }
0x89: {  	v3 =	vld [tilespmem:s25+$0x0];
	_ =	sdelay $0x4  }
0x8a: {  	v4 =	vshll.u32 v3, $0x3  }
0x8b: {  	v3 =	vand.u32 $0x7, v3;
	v4 =	vand.u32 $0xFFFFFFC0, v4  }
0x8c: {  	v3 =	vor.u32 v3, v4  }
0x8d: {  	v4 =	vperm.xlane v3, v0;
	_ =	sdelay $0x1  }
0x8e: {  	v4 =	vadd.s32 v1, v4;
	_ =	sdelay $0x3  }
0x8f: {  	s26 =	simm.s32 $0x0  }
0x90: {  	[tilespmem:s23], [sflag:$0x4] =	stream.indirect_vreg.gather [hbm4b:s2+s26], $0x80, v4, vm0, $0xb8;
	[tilespmem:$0x10200] =	vst v63  }
0x91: {  	s19 =	simm.s32 $0xCA00;
	v3 =	vperm.xlane v3, v2  }
0x92: {  	[tilespmem:s19], [sflag:$0x4] =	stream.indirect_vreg.gather [hbm4b:s6+s26], $0x80, v4, vm0, $0xb8;
	[tilespmem:$0x10200] =	vst v63  }
0x93: {  	s20 =	simm.s32 $0xD200;
	v3 =	vadd.s32 v1, v3  }
0x94: {  	[tilespmem:s20], [sflag:$0x4] =	stream.indirect_vreg.gather [hbm4b:s7+s26], $0x80, v4, vm0, $0xb8;
	[tilespmem:$0x10200] =	vst v63  }
0x95: {  	s22 =	simm.s32 $0xDA00  }
0x96: {  	[tilespmem:s22], [sflag:$0x4] =	stream.indirect_vreg.gather [hbm4b:s8+s26], $0x80, v4, vm0, $0xb8;
	[tilespmem:$0x10200] =	vst v63  }
0x97: {  	_ = 	snop  }
0x98: {  	[tilespmem:s28], [sflag:$0x4] =	stream.indirect_vreg.gather [hbm4b:s2+s26], $0x80, v3, vm0, $0xb8;
	[tilespmem:$0x10200] =	vst v63  }
0x99: {  	_ = 	snop  }
0x9a: {  	[tilespmem:s29], [sflag:$0x4] =	stream.indirect_vreg.gather [hbm4b:s6+s26], $0x80, v3, vm0, $0xb8;
	[tilespmem:$0x10200] =	vst v63  }
0x9b: {  	s24 =	simm.s32 $0x0  }
0x9c: {  	[tilespmem:s30], [sflag:$0x4] =	stream.indirect_vreg.gather [hbm4b:s7+s26], $0x80, v3, vm0, $0xb8;
	[tilespmem:$0x10200] =	vst v63  }
0x9d: {  	s18 =	sand.u32 $0x2000, s24;
	s25 =	simm.s32 $0x0;
	s20 =	sand.u32 $0x1C00, s26  }
0x9e: {  	[tilespmem:s31], [sflag:$0x4] =	stream.indirect_vreg.gather [hbm4b:s8+s26], $0x80, v3, vm0, $0xb8;
	[tilespmem:$0x10200] =	vst v63  }
0x9f: {  	s19 =	sand.u32 $0x380, s25;
	s18 =	sor.u32 s20, s18;
	_ =	swait.ge [sflag:s9], $0x4000  }
0xa0: {  	s17 =	sand.u32 $0x40, s26;
	s18 =	sor.u32 s18, s19;
	[sflag:s9] =	ssyncset.done $0x0  }
0xa1: {  	s17 =	sor.u32 s17, s18;
	[sflag:s9] =	ssyncadd.s32 $0xFFFFC000  }
0xa2: {  	v3 =	vld [tilespmem:s17+$0x4230]  }
0xa3: {  	s20 =	simm.s32 $0x40;
	s26 =	simm.s32 $0x200;
	v4 =	vld [tilespmem:s17+$0x4220]  }
0xa4: {  	s22 =	simm.s32 $0x8;
	s19 =	sand.u32 $0x2000, s20;
	s18 =	sand.u32 $0x1C00, s26;
	v5 =	vld [tilespmem:s17+$0x4210]  }
0xa5: {  	s24 =	simm.s32 $0x40;
	s20 =	sand.u32 $0x380, s22;
	s18 =	sor.u32 s18, s19  }
0xa6: {  	s19 =	sand.u32 $0x40, s24;
	s18 =	sor.u32 s18, s20;
	v6 =	vld [tilespmem:s17+$0x4200]  }
0xa7: {  	s25 =	simm.s32 $0x80;
	s20 =	sor.u32 s19, s18;
	s19 =	simm.s32 $0x400;
	v7 =	vmul.f32 $3.200000000e+01, v3  }
0xa8: {  	s24 =	simm.s32 $0x10;
	s18 =	sand.u32 $0x2000, s25;
	s25 =	sand.u32 $0x1C00, s19;
	v3 =	vld [tilespmem:s20+$0x4230];
	v8 =	vmul.f32 $3.200000000e+01, v4  }
0xa9: {  	s26 =	sand.u32 $0x380, s24;
	s24 =	simm.s32 $0x80;
	s18 =	sor.u32 s25, s18;
	v4 =	vld [tilespmem:s20+$0x4220];
	v63 =	vmul.f32 $3.200000000e+01, v5;
	[tilespmem:s17+$0x4230] =	vst v7  }
0xaa: {  	s18 =	sor.u32 s18, s26;
	s26 =	sand.u32 $0x40, s24;
	v5 =	vld [tilespmem:s20+$0x4210];
	[tilespmem:s17+$0x4220] =	vst v8  }
0xab: {  	s25 =	simm.s32 $0x8;
	s18 =	sor.u32 s26, s18;
	v7 =	vmul.f32 $3.200000000e+01, v6;
	v6 =	vld [tilespmem:s20+$0x4200];
	[tilespmem:s17+$0x4210] =	vst v63  }
.LBB2_5:
0xac: {  	s25 =	sadd.s32 $0x4, s25  }
0xad: {  	s19 =	sadd.s32 $0x200, s19;
	[tilespmem:s17+$0x4200] =	vst v7;
	s17 =	smov.u32 s20;
	p0 =	slt.u32 s25, $0x3FC  }
.Ltmp1:
0xae: {  	s20 =	sshll.u32 s25, $0x4;
	s26 =	sshll.u32 s25, $0x1;
	v7 =	vmul.f32 $3.200000000e+01, v3;
	(pc) =	sbr.rel @p0 .LBB2_5-.Ltmp1, $4  }
0xaf: {  	s22 =	sand.u32 $0x1C00, s19;
	s20 =	sand.u32 $0x2000, s20;
	v3 =	vld [tilespmem:s18+$0x4230];
	v8 =	vmul.f32 $3.200000000e+01, v4  }
0xb0: {  	s24 =	sadd.s32 $0x40, s24;
	s26 =	sand.u32 $0x380, s26;
	s20 =	sor.u32 s22, s20;
	v4 =	vld [tilespmem:s18+$0x4220];
	v9 =	vmul.f32 $3.200000000e+01, v5;
	[tilespmem:s17+$0x4230] =	vst v7  }
0xb1: {  	s22 =	sand.u32 $0x40, s24;
	s26 =	sor.u32 s20, s26;
	v5 =	vld [tilespmem:s18+$0x4210];
	v7 =	vmul.f32 $3.200000000e+01, v6;
	[tilespmem:s17+$0x4220] =	vst v8;
	s20 =	smov.u32 s18  }
0xb2: {  	s18 =	sor.u32 s22, s26;
	v6 =	vld [tilespmem:s20+$0x4200];
	[tilespmem:s17+$0x4210] =	vst v9  }
0xb3: {  	v8 =	vld [tilespmem:s18+$0x4230]  }
0xb4: {  	[tilespmem:s17+$0x4200] =	vst v7;
	v7 =	vld [tilespmem:s18+$0x4210];
	v3 =	vmul.f32 $3.200000000e+01, v3  }
0xb5: {  	v9 =	vld [tilespmem:s18+$0x4220];
	v4 =	vmul.f32 $3.200000000e+01, v4  }
0xb6: {  	v5 =	vmul.f32 $3.200000000e+01, v5;
	[tilespmem:s20+$0x4230] =	vst v3;
	v3 =	vld [tilespmem:s18+$0x4200]  }
0xb7: {  	[tilespmem:s20+$0x4220] =	vst v4;
	v4 =	vmul.f32 $3.200000000e+01, v6  }
0xb8: {  	[tilespmem:s20+$0x4210] =	vst v5;
	v5 =	vmul.f32 $3.200000000e+01, v8  }
0xb9: {  	v6 =	vmul.f32 $3.200000000e+01, v7;
	[tilespmem:s20+$0x4200] =	vst v4  }
0xba: {  	v4 =	vmul.f32 $3.200000000e+01, v9;
	[tilespmem:s18+$0x4230] =	vst v5  }
0xbb: {  	s16 =	sadd.s32 s11, s16;
	[tilespmem:s18+$0x4210] =	vst v6;
	v3 =	vmul.f32 $3.200000000e+01, v3  }
0xbc: {  	s16 =	sshrl.u32 s16, $0x3;
	[tilespmem:s18+$0x4220] =	vst v4  }
0xbd: {  	s22 =	simm.s32 $0x4200;
	p0 =	seq.s32 s13, $0x7;
	s16 =	sadd.s32 s3, s16;
	[tilespmem:s18+$0x4200] =	vst v3  }
0xbe: {  	[hbm4b:s16+s4] =	stream.linear.scatter [tilespmem:s22], [sflag:$0x6], $0x4000, $0x38;
	[tilespmem:$0x10200] =	vst v63  }
0xbf: {  	s16 =	simm.s32 @!p0 $0x5  }
0xc0: {  	_ =	swait.ge @!p0 [sflag:s16], $0x4000  }
0xc1: {  	s17 =	sshll.u32 @!p0 s13, $0x6;
	[sflag:s16] =	ssyncset.done @!p0 $0x0  }
0xc2: {  	[sflag:s16] =	ssyncadd.s32 @!p0 $0xFFFFC000;
	s16 =	sand.u32 @!p0 $0x3FFFFFC0, s17  }
0xc3: {  	v3 =	vld @!p0 [tilespmem:s16+$0x40];
	_ =	sdelay $0x4  }
0xc4: {  	v4 =	vshll.u32 @!p0 v3, $0x3  }
0xc5: {  	v5 =	vlaneseq.u32 @!p0;
	v3 =	vand.u32 @!p0 $0x7, v3;
	v4 =	vand.u32 @!p0 $0xFFFFFFC0, v4  }
0xc6: {  	v6 =	vshrl.u32 @!p0 v5, $0x3;
	v3 =	vor.u32 @!p0 v3, v4;
	v4 =	vand.u32 @!p0 $0x7, v5  }
0xc7: {  	v6 =	vmul.u32 @!p0 $0x8, v6;
	v4 =	vperm.xlane @!p0 v3, v4;
	_ =	sdelay $0x1  }
0xc8: {  	v4 =	vadd.s32 @!p0 v6, v4;
	_ =	sdelay $0x3  }
0xc9: {  	vm1 =	vmmov @!p0 $0xffff;
	s18 =	simm.s32 @!p0 $0x200;
	s17 =	simm.s32 @!p0 $0x0  }
0xca: {  	v5 =	vor.u32 @!p0 $0x8, v5;
	[tilespmem:s18], [sflag:$0x1] =	stream.indirect_vreg.gather @!p0 [hbm4b:s2+s17], $0x80, v4, vm1, $0xb8;
	[tilespmem:$0x10200] =	vst v63  }
0xcb: {  	v3 =	vperm.xlane @!p0 v3, v5;
	s18 =	simm.s32 @!p0 $0xA00  }
0xcc: {  	[tilespmem:s18], [sflag:$0x1] =	stream.indirect_vreg.gather @!p0 [hbm4b:s6+s17], $0x80, v4, vm1, $0xb8;
	[tilespmem:$0x10200] =	vst v63  }
0xcd: {  	v3 =	vadd.s32 @!p0 v6, v3;
	s18 =	simm.s32 @!p0 $0x1200  }
0xce: {  	[tilespmem:s18], [sflag:$0x1] =	stream.indirect_vreg.gather @!p0 [hbm4b:s7+s17], $0x80, v4, vm1, $0xb8;
	[tilespmem:$0x10200] =	vst v63  }
0xcf: {  	s18 =	simm.s32 @!p0 $0x1A00  }
0xd0: {  	[tilespmem:s18], [sflag:$0x1] =	stream.indirect_vreg.gather @!p0 [hbm4b:s8+s17], $0x80, v4, vm1, $0xb8;
	[tilespmem:$0x10200] =	vst v63  }
0xd1: {  	s18 =	simm.s32 @!p0 $0x2200  }
0xd2: {  	[tilespmem:s18], [sflag:$0x1] =	stream.indirect_vreg.gather @!p0 [hbm4b:s2+s17], $0x80, v3, vm1, $0xb8;
	[tilespmem:$0x10200] =	vst v63  }
0xd3: {  	s18 =	simm.s32 @!p0 $0x2A00  }
0xd4: {  	[tilespmem:s18], [sflag:$0x1] =	stream.indirect_vreg.gather @!p0 [hbm4b:s6+s17], $0x80, v3, vm1, $0xb8;
	[tilespmem:$0x10200] =	vst v63  }
0xd5: {  	s18 =	simm.s32 @!p0 $0x3200  }
0xd6: {  	[tilespmem:s18], [sflag:$0x1] =	stream.indirect_vreg.gather @!p0 [hbm4b:s7+s17], $0x80, v3, vm1, $0xb8;
	[tilespmem:$0x10200] =	vst v63  }
0xd7: {  	s24 =	simm.s32 $0x0;
	s25 =	simm.s32 $0x0;
	s18 =	simm.s32 @!p0 $0x3A00  }
0xd8: {  	[tilespmem:s18], [sflag:$0x1] =	stream.indirect_vreg.gather @!p0 [hbm4b:s8+s17], $0x80, v3, vm1, $0xb8;
	[tilespmem:$0x10200] =	vst v63  }
0xd9: {  	s19 =	simm.s32 $0x0;
	s26 =	sand.u32 $0x1C00, s24;
	s18 =	sand.u32 $0x2000, s25  }
0xda: {  	s19 =	sand.u32 $0x380, s19;
	_ =	swait.ge [sflag:s12], $0x4000;
	s18 =	sor.u32 s26, s18  }
0xdb: {  	s17 =	sand.u32 $0x40, s24;
	[sflag:s12] =	ssyncset.done $0x0;
	s18 =	sor.u32 s18, s19  }
0xdc: {  	[sflag:s12] =	ssyncadd.s32 $0xFFFFC000;
	s17 =	sor.u32 s17, s18  }
0xdd: {  	v3 =	vld [tilespmem:s17+$0x8230]  }
0xde: {  	s20 =	simm.s32 $0x200;
	s22 =	simm.s32 $0x40;
	v4 =	vld [tilespmem:s17+$0x8220]  }
0xdf: {  	s24 =	simm.s32 $0x8;
	s19 =	sand.u32 $0x2000, s22;
	s18 =	sand.u32 $0x1C00, s20;
	v5 =	vld [tilespmem:s17+$0x8210]  }
0xe0: {  	s25 =	simm.s32 $0x40;
	s20 =	sand.u32 $0x380, s24;
	s18 =	sor.u32 s18, s19  }
0xe1: {  	s19 =	sand.u32 $0x40, s25;
	v6 =	vld [tilespmem:s17+$0x8200];
	s18 =	sor.u32 s18, s20  }
0xe2: {  	s26 =	simm.s32 $0x80;
	s20 =	sor.u32 s19, s18;
	s19 =	simm.s32 $0x400;
	v7 =	vmul.f32 $3.200000000e+01, v3  }
0xe3: {  	s22 =	simm.s32 $0x10;
	s18 =	sand.u32 $0x2000, s26;
	s24 =	sand.u32 $0x1C00, s19;
	v3 =	vld [tilespmem:s20+$0x8230];
	v8 =	vmul.f32 $3.200000000e+01, v4  }
0xe4: {  	s22 =	sand.u32 $0x380, s22;
	s18 =	sor.u32 s24, s18;
	s24 =	simm.s32 $0x80;
	v4 =	vld [tilespmem:s20+$0x8220];
	v63 =	vmul.f32 $3.200000000e+01, v5;
	[tilespmem:s17+$0x8230] =	vst v7  }
0xe5: {  	s26 =	sand.u32 $0x40, s24;
	s18 =	sor.u32 s18, s22;
	v5 =	vld [tilespmem:s20+$0x8210];
	[tilespmem:s17+$0x8220] =	vst v8  }
0xe6: {  	s25 =	simm.s32 $0x8;
	s18 =	sor.u32 s26, s18;
	v7 =	vmul.f32 $3.200000000e+01, v6;
	v6 =	vld [tilespmem:s20+$0x8200];
	[tilespmem:s17+$0x8210] =	vst v63  }
.LBB2_7:
0xe7: {  	s25 =	sadd.s32 $0x4, s25  }
0xe8: {  	s19 =	sadd.s32 $0x200, s19;
	[tilespmem:s17+$0x8200] =	vst v7;
	s17 =	smov.u32 s20;
	p1 =	slt.u32 s25, $0x3FC  }
.Ltmp2:
0xe9: {  	s20 =	sshll.u32 s25, $0x4;
	s22 =	sshll.u32 s25, $0x1;
	v7 =	vmul.f32 $3.200000000e+01, v3;
	(pc) =	sbr.rel @p1 .LBB2_7-.Ltmp2, $4  }
0xea: {  	s26 =	sand.u32 $0x1C00, s19;
	s20 =	sand.u32 $0x2000, s20;
	v3 =	vld [tilespmem:s18+$0x8230];
	v8 =	vmul.f32 $3.200000000e+01, v4  }
0xeb: {  	s24 =	sadd.s32 $0x40, s24;
	s22 =	sand.u32 $0x380, s22;
	s20 =	sor.u32 s26, s20;
	v4 =	vld [tilespmem:s18+$0x8220];
	v9 =	vmul.f32 $3.200000000e+01, v5;
	[tilespmem:s17+$0x8230] =	vst v7  }
0xec: {  	s26 =	sand.u32 $0x40, s24;
	s22 =	sor.u32 s20, s22;
	v5 =	vld [tilespmem:s18+$0x8210];
	v7 =	vmul.f32 $3.200000000e+01, v6;
	[tilespmem:s17+$0x8220] =	vst v8;
	s20 =	smov.u32 s18  }
0xed: {  	s18 =	sor.u32 s26, s22;
	v6 =	vld [tilespmem:s20+$0x8200];
	[tilespmem:s17+$0x8210] =	vst v9  }
0xee: {  	v8 =	vld [tilespmem:s18+$0x8230]  }
0xef: {  	[tilespmem:s17+$0x8200] =	vst v7;
	v7 =	vld [tilespmem:s18+$0x8210];
	v3 =	vmul.f32 $3.200000000e+01, v3  }
0xf0: {  	v9 =	vld [tilespmem:s18+$0x8220];
	v4 =	vmul.f32 $3.200000000e+01, v4  }
0xf1: {  	v5 =	vmul.f32 $3.200000000e+01, v5;
	[tilespmem:s20+$0x8230] =	vst v3;
	v3 =	vld [tilespmem:s18+$0x8200]  }
0xf2: {  	[tilespmem:s20+$0x8220] =	vst v4;
	v4 =	vmul.f32 $3.200000000e+01, v6  }
0xf3: {  	[tilespmem:s20+$0x8210] =	vst v5;
	v5 =	vmul.f32 $3.200000000e+01, v8  }
0xf4: {  	v6 =	vmul.f32 $3.200000000e+01, v7;
	[tilespmem:s20+$0x8200] =	vst v4  }
0xf5: {  	s15 =	sshll.u32 s15, $0xE;
	v4 =	vmul.f32 $3.200000000e+01, v9;
	[tilespmem:s18+$0x8230] =	vst v5  }
0xf6: {  	s15 =	sadd.s32 s10, s15;
	[tilespmem:s18+$0x8210] =	vst v6;
	v3 =	vmul.f32 $3.200000000e+01, v3  }
0xf7: {  	s15 =	sshrl.u32 s15, $0x3;
	[tilespmem:s18+$0x8220] =	vst v4  }
0xf8: {  	s15 =	sadd.s32 s3, s15;
	[tilespmem:s18+$0x8200] =	vst v3  }
0xf9: {  	[hbm4b:s15+s4] =	stream.linear.scatter [tilespmem:s0], [sflag:$0x7], $0x4000, $0x38;
	[tilespmem:$0x10200] =	vst v63  }
0xfa: {  	s15 =	simm.s32 @!p0 $0x6  }
0xfb: {  	_ =	swait.ge @!p0 [sflag:s15], $0x4000  }
0xfc: {  	[sflag:s15] =	ssyncset.done @!p0 $0x0  }
0xfd: {  	[sflag:s15] =	ssyncadd.s32 @!p0 $0xFFFFC000  }
0xfe: {  	v3 =	vld @!p0 [tilespmem:s16+$0x50];
	_ =	sdelay $0x4  }
0xff: {  	v4 =	vshll.u32 @!p0 v3, $0x3  }
0x100: {  	v5 =	vlaneseq.u32 @!p0;
	v3 =	vand.u32 @!p0 $0x7, v3;
	v4 =	vand.u32 @!p0 $0xFFFFFFC0, v4  }
0x101: {  	v6 =	vshrl.u32 @!p0 v5, $0x3;
	v3 =	vor.u32 @!p0 v3, v4;
	v4 =	vand.u32 @!p0 $0x7, v5  }
0x102: {  	v6 =	vmul.u32 @!p0 $0x8, v6;
	v4 =	vperm.xlane @!p0 v3, v4;
	_ =	sdelay $0x1  }
0x103: {  	v4 =	vadd.s32 @!p0 v6, v4;
	_ =	sdelay $0x3  }
0x104: {  	s15 =	simm.s32 @!p0 $0x0;
	s16 =	simm.s32 @!p0 $0x4200  }
0x105: {  	v5 =	vor.u32 @!p0 $0x8, v5;
	[tilespmem:s16], [sflag:$0x2] =	stream.indirect_vreg.gather @!p0 [hbm4b:s2+s15], $0x80, v4, vm1, $0xb8;
	[tilespmem:$0x10200] =	vst v63  }
0x106: {  	v3 =	vperm.xlane @!p0 v3, v5;
	s16 =	simm.s32 @!p0 $0x4A00  }
0x107: {  	[tilespmem:s16], [sflag:$0x2] =	stream.indirect_vreg.gather @!p0 [hbm4b:s6+s15], $0x80, v4, vm1, $0xb8;
	[tilespmem:$0x10200] =	vst v63  }
0x108: {  	v3 =	vadd.s32 @!p0 v6, v3;
	s16 =	simm.s32 @!p0 $0x5200  }
0x109: {  	[tilespmem:s16], [sflag:$0x2] =	stream.indirect_vreg.gather @!p0 [hbm4b:s7+s15], $0x80, v4, vm1, $0xb8;
	[tilespmem:$0x10200] =	vst v63  }
0x10a: {  	s16 =	simm.s32 @!p0 $0x5A00  }
0x10b: {  	[tilespmem:s16], [sflag:$0x2] =	stream.indirect_vreg.gather @!p0 [hbm4b:s8+s15], $0x80, v4, vm1, $0xb8;
	[tilespmem:$0x10200] =	vst v63  }
0x10c: {  	s16 =	simm.s32 @!p0 $0x6200  }
0x10d: {  	[tilespmem:s16], [sflag:$0x2] =	stream.indirect_vreg.gather @!p0 [hbm4b:s2+s15], $0x80, v3, vm1, $0xb8;
	[tilespmem:$0x10200] =	vst v63  }
0x10e: {  	s16 =	simm.s32 @!p0 $0x6A00  }
0x10f: {  	[tilespmem:s16], [sflag:$0x2] =	stream.indirect_vreg.gather @!p0 [hbm4b:s6+s15], $0x80, v3, vm1, $0xb8;
	[tilespmem:$0x10200] =	vst v63  }
0x110: {  	s16 =	simm.s32 @!p0 $0x7200  }
0x111: {  	[tilespmem:s16], [sflag:$0x2] =	stream.indirect_vreg.gather @!p0 [hbm4b:s7+s15], $0x80, v3, vm1, $0xb8;
	[tilespmem:$0x10200] =	vst v63  }
0x112: {  	s22 =	simm.s32 $0x0;
	s24 =	simm.s32 $0x0;
	s16 =	simm.s32 @!p0 $0x7A00  }
0x113: {  	[tilespmem:s16], [sflag:$0x2] =	stream.indirect_vreg.gather @!p0 [hbm4b:s8+s15], $0x80, v3, vm1, $0xb8;
	[tilespmem:$0x10200] =	vst v63  }
0x114: {  	s25 =	simm.s32 $0x0;
	s26 =	sand.u32 $0x1C00, s22;
	s16 =	sand.u32 $0x2000, s24  }
0x115: {  	s17 =	sand.u32 $0x380, s25;
	_ =	swait.ge [sflag:s5], $0x4000;
	s16 =	sor.u32 s26, s16  }
0x116: {  	s15 =	sand.u32 $0x40, s22;
	[sflag:s5] =	ssyncset.done $0x0;
	s16 =	sor.u32 s16, s17  }
0x117: {  	[sflag:s5] =	ssyncadd.s32 $0xFFFFC000;
	s15 =	sor.u32 s15, s16  }
0x118: {  	v3 =	vld [tilespmem:s15+$0xC230]  }
0x119: {  	s19 =	simm.s32 $0x200;
	s20 =	simm.s32 $0x40;
	v4 =	vld [tilespmem:s15+$0xC220]  }
0x11a: {  	s22 =	simm.s32 $0x8;
	s17 =	sand.u32 $0x2000, s20;
	s16 =	sand.u32 $0x1C00, s19;
	v5 =	vld [tilespmem:s15+$0xC210]  }
0x11b: {  	s24 =	simm.s32 $0x40;
	s18 =	sand.u32 $0x380, s22;
	s16 =	sor.u32 s16, s17  }
0x11c: {  	s17 =	sand.u32 $0x40, s24;
	v6 =	vld [tilespmem:s15+$0xC200];
	s16 =	sor.u32 s16, s18  }
0x11d: {  	s25 =	simm.s32 $0x80;
	s18 =	sor.u32 s17, s16;
	s17 =	simm.s32 $0x400;
	v7 =	vmul.f32 $3.200000000e+01, v3  }
0x11e: {  	s19 =	simm.s32 $0x10;
	s16 =	sand.u32 $0x2000, s25;
	s26 =	sand.u32 $0x1C00, s17;
	v3 =	vld [tilespmem:s18+$0xC230];
	v8 =	vmul.f32 $3.200000000e+01, v4  }
0x11f: {  	s22 =	sand.u32 $0x380, s19;
	s19 =	simm.s32 $0x80;
	s16 =	sor.u32 s26, s16;
	v4 =	vld [tilespmem:s18+$0xC220];
	v63 =	vmul.f32 $3.200000000e+01, v5;
	[tilespmem:s15+$0xC230] =	vst v7  }
0x120: {  	s24 =	sand.u32 $0x40, s19;
	s16 =	sor.u32 s16, s22;
	v5 =	vld [tilespmem:s18+$0xC210];
	[tilespmem:s15+$0xC220] =	vst v8  }
0x121: {  	s20 =	simm.s32 $0x8;
	s16 =	sor.u32 s24, s16;
	v7 =	vmul.f32 $3.200000000e+01, v6;
	v6 =	vld [tilespmem:s18+$0xC200];
	[tilespmem:s15+$0xC210] =	vst v63  }
.LBB2_9:
0x122: {  	s20 =	sadd.s32 $0x4, s20  }
0x123: {  	s17 =	sadd.s32 $0x200, s17;
	[tilespmem:s15+$0xC200] =	vst v7;
	s15 =	smov.u32 s18;
	p0 =	slt.u32 s20, $0x3FC  }
.Ltmp3:
0x124: {  	s18 =	sshll.u32 s20, $0x4;
	s22 =	sshll.u32 s20, $0x1;
	v7 =	vmul.f32 $3.200000000e+01, v3;
	(pc) =	sbr.rel @p0 .LBB2_9-.Ltmp3, $4  }
0x125: {  	s24 =	sand.u32 $0x1C00, s17;
	s18 =	sand.u32 $0x2000, s18;
	v3 =	vld [tilespmem:s16+$0xC230];
	v8 =	vmul.f32 $3.200000000e+01, v4  }
0x126: {  	s19 =	sadd.s32 $0x40, s19;
	s22 =	sand.u32 $0x380, s22;
	s18 =	sor.u32 s24, s18;
	v4 =	vld [tilespmem:s16+$0xC220];
	v9 =	vmul.f32 $3.200000000e+01, v5;
	[tilespmem:s15+$0xC230] =	vst v7  }
0x127: {  	s24 =	sand.u32 $0x40, s19;
	s22 =	sor.u32 s18, s22;
	v5 =	vld [tilespmem:s16+$0xC210];
	v7 =	vmul.f32 $3.200000000e+01, v6;
	[tilespmem:s15+$0xC220] =	vst v8;
	s18 =	smov.u32 s16  }
0x128: {  	s16 =	sor.u32 s24, s22;
	v6 =	vld [tilespmem:s18+$0xC200];
	[tilespmem:s15+$0xC210] =	vst v9  }
0x129: {  	v8 =	vld [tilespmem:s16+$0xC230]  }
0x12a: {  	v9 =	vld [tilespmem:s16+$0xC220];
	v3 =	vmul.f32 $3.200000000e+01, v3  }
0x12b: {  	[tilespmem:s15+$0xC200] =	vst v7;
	v59 =	vld [tilespmem:s16+$0xC210];
	v4 =	vmul.f32 $3.200000000e+01, v4  }
0x12c: {  	v5 =	vmul.f32 $3.200000000e+01, v5;
	[tilespmem:s18+$0xC230] =	vst v3;
	v3 =	vld [tilespmem:s16+$0xC200]  }
0x12d: {  	[tilespmem:s18+$0xC220] =	vst v4;
	v60 =	vmul.f32 $3.200000000e+01, v6  }
0x12e: {  	s13 =	sadd.s32 $0x1, s13;
	[tilespmem:s18+$0xC210] =	vst v5;
	v61 =	vmul.f32 $3.200000000e+01, v8  }
0x12f: {  	p0 =	sne.s32 s13, $0x8;
	v62 =	vmul.f32 $3.200000000e+01, v9;
	[tilespmem:s18+$0xC200] =	vst v60  }
.Ltmp4:
0x130: {  	s1 =	sshll.u32 s1, $0xE;
	v63 =	vmul.f32 $3.200000000e+01, v59;
	[tilespmem:s16+$0xC230] =	vst v61;
	(pc) =	sbr.rel @p0 .LBB2_2-.Ltmp4, $4  }
0x131: {  	s1 =	sadd.s32 s10, s1;
	[tilespmem:s16+$0xC220] =	vst v62;
	v3 =	vmul.f32 $3.200000000e+01, v3  }
0x132: {  	s1 =	sshrl.u32 s1, $0x3;
	[tilespmem:s16+$0xC210] =	vst v63  }
0x133: {  	s1 =	sadd.s32 s3, s1;
	[tilespmem:s16+$0xC200] =	vst v3  }
0x134: {  	[hbm4b:s1+s4] =	stream.linear.scatter [tilespmem:s23], [sflag:$0x8], $0x4000, $0x38;
	[tilespmem:$0x10200] =	vst v63  }
0x135: {  	s1 =	simm.s32 $0x5  }
0x136: {  	_ =	swait.ge [sflag:s1], $0x4000  }
0x137: {  	[sflag:s1] =	ssyncset.done $0x0  }
0x138: {  	s24 =	simm.s32 $0x6;
	[sflag:s1] =	ssyncadd.s32 $0xFFFFC000  }
0x139: {  	_ =	swait.ge [sflag:s24], $0x4000  }
0x13a: {  	[sflag:s24] =	ssyncset.done $0x0  }
0x13b: {  	s25 =	simm.s32 $0x7;
	[sflag:s24] =	ssyncadd.s32 $0xFFFFC000  }
0x13c: {  	_ =	swait.ge [sflag:s25], $0x4000  }
0x13d: {  	[sflag:s25] =	ssyncset.done $0x0  }
0x13e: {  	s13 =	simm.s32 $0x8;
	[sflag:s25] =	ssyncadd.s32 $0xFFFFC000  }
0x13f: {  	_ =	swait.ge [sflag:s13], $0x4000  }
0x140: {  	s15 =	rddreg [dreg:$0x7]  }
0x141: {  	s26 =	rddreg [dreg:$0x6];
	s15 =	sadd.s32 $0x1, s15  }
0x142: {  	p0 =	sne.s32 s15, s26  }
.Ltmp5:
0x143: {  	_ = 	snop;
	(pc) =	sbr.rel @p0 .LBB2_1-.Ltmp5, $3  }
0x144: {  	_ =	sdelay $0x1  }
0x145: {  	[sflag:s13] =	ssyncset.done $0x0  }
0x146: {  	[sflag:s13] =	ssyncadd.s32 $0xFFFFC000  }
0x147: {  	_ =	sfence.sel $0x180000  }
0x148: {  	[bflag:$0x0] =	sbarrier.arrive $0xFFFF  }
0x149: {  	_ =	strace $0x90000047  }
0x14a: {  	s0 =	stileid.u32;
	[bflag:$0x2] =	sbarrier.arrive $0xFFFF  }
0x14b: {  	p0 =	sne.s32 s0, $0x0;
	s0 =	rddreg [dreg:$0x3]  }
0x14c: {  	s0 =	sadd.s32 @!p0 $0x100000, s0  }
0x14d: {  	[sflag:s0] =	ssyncadd.tile.s32 @!p0 $0x1;
	_ =	shalt  }
.Lfunc_end2:
_tile_overlayer_lowered:
.L_overlay_start_2:
0x14e: {  	(tag) =	ssettag $0x2  }
0x14f: {  	s0 =	rddreg [dreg:$0x0];
	s2 =	stileid.u32  }
0x150: {  	s1 =	rddreg [dreg:$0x1];
	p0 =	sne.s32 s2, $0x0  }
0x151: {  	s3 =	rddreg [dreg:$0x2];
	[bflag:$0x3] =	sbarrier.arrive $0xFFFF;
	s2 =	simm.s32 @!p0 $0x1C09  }
0x152: {  	[timem:s3], [sflag:s2] =	dma.local @!p0 [hbm:s0], s1  }
0x153: {  	s0 =	simm.s32 @!p0 $0x9  }
0x154: {  	_ =	swait.ge @!p0 [sflag:s0], s1  }
0x155: {  	s1 =	ssub.s32 @!p0 $0x0, s1;
	[sflag:s0] =	ssyncset.done @!p0 $0x0  }
0x156: {  	[sflag:s0] =	ssyncadd.s32 @!p0 s1  }
0x157: {  	[bflag:$0x3] =	sbarrier.arrive $0xFFFF  }
0x158: {  	_ =	shalt  }

</sc_bundles>
